<compile_context>
chip_gen: v7x
topology: tpu7x:2x2x1
jax: 0.10.2.dev20260603
libtpu: 0.0.44.dev20260713+nightly
codegen_flags: <defaults>
</compile_context>

<pallas_src>
import functools

import jax
import jax.numpy as jnp
from jax import lax
from jax.experimental import pallas as pl
from jax.experimental.pallas import tpu as pltpu
from jax.experimental.pallas import tpu_sc as plsc

VMIN = -1.0
VMAX = 1.0
NUM_WEIGHTS = 63
INV_DPW = (NUM_WEIGHTS - 1) / (VMAX - VMIN)

ROWS = 8 * 4096
COLS = 1024
R_SC = 16384
NCORES = 2
NSUB = 16
NWORK = NCORES * NSUB
ROWS_W = R_SC // NWORK
CHR = 16
NCHUNK = ROWS_W // CHR
NVEC = CHR * COLS // 16
LANES = 16

BLK_R = 1024
TC_GRID = (ROWS - R_SC) // BLK_R
TC_OFF = R_SC // BLK_R


def _lerp(nd):
    nd = jnp.minimum(jnp.maximum(nd, 0.0), float(NUM_WEIGHTS - 1))
    li = nd.astype(jnp.int32)
    return li, nd - li.astype(jnp.float32)


def _sc_body(x_hbm, w_hbm, out_hbm, lut_lo, lut_hi, in_v, out_v,
             in_sem0, in_sem1, out_sem0, out_sem1):
    wid = lax.axis_index("s") * NCORES + lax.axis_index("c")
    base = wid * ROWS_W

    in_sems = (in_sem0, in_sem1)
    out_sems = (out_sem0, out_sem1)

    pltpu.sync_copy(w_hbm.at[pl.ds(0, 64)], lut_lo)
    pltpu.sync_copy(w_hbm.at[pl.ds(64, 64)], lut_hi)

    def start_in(g, b):
        pltpu.async_copy(x_hbm.at[pl.ds(base + g * CHR, CHR)], in_v.at[b],
                         in_sems[b])

    def wait_in(g, b):
        pltpu.make_async_copy(x_hbm.at[pl.ds(base + g * CHR, CHR)],
                              in_v.at[b], in_sems[b]).wait()

    def start_out(g, b):
        pltpu.async_copy(out_v.at[b], out_hbm.at[pl.ds(base + g * CHR, CHR)],
                         out_sems[b])

    def wait_out(g, b):
        pltpu.make_async_copy(out_v.at[b],
                              out_hbm.at[pl.ds(base + g * CHR, CHR)],
                              out_sems[b]).wait()

    def compute(b):
        @plsc.parallel_loop(0, NVEC, 1, unroll=16)
        def _(i):
            r = lax.shift_right_logical(i, 6)
            c = lax.shift_left(lax.bitwise_and(i, 63), 4)
            x = in_v[b, r, pl.ds(c, LANES)]
            li, f = _lerp(x * INV_DPW + (-VMIN * INV_DPW))
            w_lo = plsc.load_gather(lut_lo, [li])
            w_hi = plsc.load_gather(lut_hi, [li])
            out_v[b, r, pl.ds(c, LANES)] = w_lo + f * (w_hi - w_lo)

    start_in(0, 0)

    def step(i, _):
        for b in (0, 1):
            g = 2 * i + b

            @pl.when(g + 1 < NCHUNK)
            def _():
                start_in(g + 1, (b + 1) % 2)

            wait_in(g, b)

            @pl.when(g >= 2)
            def _():
                wait_out(g - 2, b)

            compute(b)
            start_out(g, b)
        return 0

    lax.fori_loop(0, NCHUNK // 2, step, 0)

    for b in (0, 1):
        wait_out(NCHUNK - 2 + b, b)


_mesh = plsc.VectorSubcoreMesh(core_axis_name="c", subcore_axis_name="s")

_sc_act = functools.partial(
    pl.kernel,
    out_type=jax.ShapeDtypeStruct((R_SC, COLS), jnp.float32),
    mesh=_mesh,
    compiler_params=pltpu.CompilerParams(needs_layout_passes=False,
                                         use_tc_tiling_on_sc=True),
    scratch_types=[
        pltpu.VMEM((64,), jnp.float32),
        pltpu.VMEM((64,), jnp.float32),
        pltpu.VMEM((2, CHR, COLS), jnp.float32),
        pltpu.VMEM((2, CHR, COLS), jnp.float32),
        pltpu.SemaphoreType.DMA,
        pltpu.SemaphoreType.DMA,
        pltpu.SemaphoreType.DMA,
        pltpu.SemaphoreType.DMA,
    ],
)(_sc_body)


def _tc_body(wlo_ref, whi_ref, x_ref, o_ref):
    tab_lo = jnp.broadcast_to(wlo_ref[...], (BLK_R, 128))
    tab_hi = jnp.broadcast_to(whi_ref[...], (BLK_R, 128))
    for k in range(COLS // 128):
        x = x_ref[:, k * 128:(k + 1) * 128]
        li, f = _lerp(x * INV_DPW + (-VMIN * INV_DPW))
        lo = jnp.take_along_axis(tab_lo, li, axis=-1,
                                 mode="promise_in_bounds")
        hi = jnp.take_along_axis(tab_hi, li, axis=-1,
                                 mode="promise_in_bounds")
        o_ref[:, k * 128:(k + 1) * 128] = lo + f * (hi - lo)


@jax.jit
def kernel(x, weight):
    pad = weight[-1:]
    w_lo = jnp.concatenate([weight, pad])
    w_hi = jnp.concatenate([weight[1:], pad, pad])
    x2 = x.reshape(ROWS, COLS)

    y_sc = _sc_act(x2, jnp.concatenate([w_lo, w_hi]))

    wlo2 = jnp.tile(w_lo.reshape(1, 64), (1, 2))
    whi2 = jnp.tile(w_hi.reshape(1, 64), (1, 2))
    y_tc = pl.pallas_call(
        _tc_body,
        grid=(TC_GRID,),
        in_specs=[
            pl.BlockSpec((1, 128), lambda i: (0, 0)),
            pl.BlockSpec((1, 128), lambda i: (0, 0)),
            pl.BlockSpec((BLK_R, COLS), lambda i: (i + TC_OFF, 0)),
        ],
        out_specs=pl.BlockSpec((BLK_R, COLS), lambda i: (i + TC_OFF, 0)),
        out_shape=jax.ShapeDtypeStruct((ROWS, COLS), jnp.float32),
    )(wlo2, whi2, x2)

    y = lax.dynamic_update_slice(y_tc, y_sc, (0, 0))
    return y.reshape(x.shape)

# --- scband reference (transcript-rebuilt; emitter-appended) ---
"""Pipeline reference for scband-trainable-activation-31138512896517 (READ-ONLY COPY).

The authoritative reference and input builder live on the scoring server;
editing this copy changes nothing except your own understanding.
"""

import jax, jax.numpy as jnp
import numpy as np

VMIN = -1.0
VMAX = 1.0
NUM_WEIGHTS = 63
INIT_SCALE = 1.0


def setup_inputs(seed: int = 0) -> dict:
    key = jax.random.key(seed)
    x = jax.random.normal(jax.random.fold_in(key, 0), (8, 4096, 1024), dtype=jnp.float32)
    # reset_parameters in the torch code overwrites self.weight.data with a 1-D
    # linspace of length num_weights (the (num_channels, num_weights) allocation
    # is discarded), so the effective learned parameter is a 1-D LUT.
    np_x = np.linspace(VMIN, VMAX, NUM_WEIGHTS, dtype=np.float32)
    weight = jnp.asarray(np_x * INIT_SCALE)
    return {"x": x, "weight": weight}


def reference(x, weight):
    distance = VMAX - VMIN
    distance_per_weight = distance / (NUM_WEIGHTS - 1)
    distance_vmin = x - VMIN
    num_distance = distance_vmin / distance_per_weight
    # torch .to(torch.int32) truncates toward zero; values are clamped to
    # [0, NUM_WEIGHTS-1] first so truncation == floor here.
    lower_weight_index = jnp.clip(num_distance, 0, NUM_WEIGHTS - 1).astype(jnp.int32)
    upper_weight_index = jnp.clip(num_distance + 1, 0, NUM_WEIGHTS - 1).astype(jnp.int32)
    w_lo = jnp.take(weight, lower_weight_index, axis=0)
    w_hi = jnp.take(weight, upper_weight_index, axis=0)
    out = w_lo + (num_distance - lower_weight_index.astype(num_distance.dtype)) * (w_hi - w_lo)
    return out

if __name__ == "__main__":
    import jax
    _d = setup_inputs()
    print(jax.jit(kernel)(*tuple(_d.values())))

</pallas_src>

<mosaic_0001>
#map = affine_map<(d0, d1) -> (0, 0)>
#map1 = affine_map<(d0, d1) -> (0)>
module attributes {stable_mosaic.version = 14 : i64} {
  func.func @_sc_body(%arg0: i32, %arg1: i32, %arg2: memref<32768x1024xf32, #tpu.memory_space<hbm>>, %arg3: memref<128xf32, #tpu.memory_space<hbm>>, %arg4: memref<16384x1024xf32, #tpu.memory_space<hbm>>, %arg5: memref<64xf32, #tpu.memory_space<vmem>>, %arg6: memref<64xf32, #tpu.memory_space<vmem>>, %arg7: memref<2x16x1024xf32, #tpu.memory_space<vmem>>, %arg8: memref<2x16x1024xf32, #tpu.memory_space<vmem>>, %arg9: memref<!tpu.dma_semaphore, #tpu.memory_space<semaphore_mem>>, %arg10: memref<!tpu.dma_semaphore, #tpu.memory_space<semaphore_mem>>, %arg11: memref<!tpu.dma_semaphore, #tpu.memory_space<semaphore_mem>>, %arg12: memref<!tpu.dma_semaphore, #tpu.memory_space<semaphore_mem>>) attributes {dimension_semantics = [#tpu.dimension_semantics<core_parallel>, #tpu.dimension_semantics<subcore_parallel>], iteration_bounds = array<i64: 2, 16>, scalar_prefetch = 0 : i64, scratch_operands = 8 : i64, tpu.core_type = #tpu.core_type<sc_vector_subcore>, window_params = [{transform_indices = #map}, {transform_indices = #map1}, {transform_indices = #map}]} {
    %mul3A = arith.constant 2 : i32
    %mul3A_0 = arith.muli %arg1, %mul3A : i32
    %add3A = arith.addi %mul3A_0, %arg0 : i32
    %mul3A_1 = arith.constant 512 : i32
    %mul3A_2 = arith.muli %add3A, %mul3A_1 : i32
    "tpu.region"() ({
      %run_scoped3A = tpu.sem_alloc : memref<!tpu.dma_semaphore, #tpu.memory_space<semaphore_mem>>
      %dma_start3A_52 = arith.constant 0 : i32
      %dma_start3A_53 = tpu.memref_slice %arg3[%dma_start3A_52] : memref<128xf32, #tpu.memory_space<hbm>> -> memref<64xf32, #tpu.memory_space<hbm>>
      %dma_start3A_54 = arith.constant 0 : i32
      %dma_start3A_55 = tpu.memref_slice %arg3[%dma_start3A_54] : memref<128xf32, #tpu.memory_space<hbm>> -> memref<64xf32, #tpu.memory_space<hbm>>
      tpu.enqueue_dma source(%dma_start3A_55 : memref<64xf32, #tpu.memory_space<hbm>>) target(%arg5 : memref<64xf32, #tpu.memory_space<vmem>>) target_semaphore(%run_scoped3A : memref<!tpu.dma_semaphore, #tpu.memory_space<semaphore_mem>>)
      %dma_wait3A_56 = arith.constant 0 : i32
      %dma_wait3A_57 = tpu.memref_slice %arg3[%dma_wait3A_56] : memref<128xf32, #tpu.memory_space<hbm>> -> memref<64xf32, #tpu.memory_space<hbm>>
      %dma_wait3A_58 = arith.constant 0 : i32
      %dma_wait3A_59 = tpu.memref_slice %arg3[%dma_wait3A_58] : memref<128xf32, #tpu.memory_space<hbm>> -> memref<64xf32, #tpu.memory_space<hbm>>
      tpu.wait_dma2 semaphore(%run_scoped3A : memref<!tpu.dma_semaphore, #tpu.memory_space<semaphore_mem>>) src(%dma_wait3A_59 : memref<64xf32, #tpu.memory_space<hbm>>) dst(%arg5 : memref<64xf32, #tpu.memory_space<vmem>>)
      tpu.yield
    }) : () -> ()
    "tpu.region"() ({
      %run_scoped3A = tpu.sem_alloc : memref<!tpu.dma_semaphore, #tpu.memory_space<semaphore_mem>>
      %dma_start3A_52 = arith.constant 64 : i32
      %dma_start3A_53 = tpu.memref_slice %arg3[%dma_start3A_52] : memref<128xf32, #tpu.memory_space<hbm>> -> memref<64xf32, #tpu.memory_space<hbm>>
      %dma_start3A_54 = arith.constant 64 : i32
      %dma_start3A_55 = tpu.memref_slice %arg3[%dma_start3A_54] : memref<128xf32, #tpu.memory_space<hbm>> -> memref<64xf32, #tpu.memory_space<hbm>>
      tpu.enqueue_dma source(%dma_start3A_55 : memref<64xf32, #tpu.memory_space<hbm>>) target(%arg6 : memref<64xf32, #tpu.memory_space<vmem>>) target_semaphore(%run_scoped3A : memref<!tpu.dma_semaphore, #tpu.memory_space<semaphore_mem>>)
      %dma_wait3A_56 = arith.constant 64 : i32
      %dma_wait3A_57 = tpu.memref_slice %arg3[%dma_wait3A_56] : memref<128xf32, #tpu.memory_space<hbm>> -> memref<64xf32, #tpu.memory_space<hbm>>
      %dma_wait3A_58 = arith.constant 64 : i32
      %dma_wait3A_59 = tpu.memref_slice %arg3[%dma_wait3A_58] : memref<128xf32, #tpu.memory_space<hbm>> -> memref<64xf32, #tpu.memory_space<hbm>>
      tpu.wait_dma2 semaphore(%run_scoped3A : memref<!tpu.dma_semaphore, #tpu.memory_space<semaphore_mem>>) src(%dma_wait3A_59 : memref<64xf32, #tpu.memory_space<hbm>>) dst(%arg6 : memref<64xf32, #tpu.memory_space<vmem>>)
      tpu.yield
    }) : () -> ()
    %add3A_3 = arith.constant 0 : i32
    %add3A_4 = arith.addi %mul3A_2, %add3A_3 : i32
    %dma_start3A = arith.constant 0 : i32
    %dma_start3A_5 = arith.constant 0 : i32
    %dma_start3A_6 = arith.constant 0 : i32
    %dma_start3A_7 = tpu.memref_slice %arg7[%dma_start3A, %dma_start3A_5, %dma_start3A_6] : memref<2x16x1024xf32, #tpu.memory_space<vmem>> -> memref<1x16x1024xf32, #tpu.memory_space<vmem>>
    %dma_start3A_8 = tpu.memref_squeeze %dma_start3A_7 : memref<1x16x1024xf32, #tpu.memory_space<vmem>> -> memref<16x1024xf32, #tpu.memory_space<vmem>>
    %dma_start3A_9 = arith.constant 0 : i32
    %dma_start3A_10 = tpu.memref_slice %arg2[%add3A_4, %dma_start3A_9] : memref<32768x1024xf32, #tpu.memory_space<hbm>> -> memref<16x1024xf32, #tpu.memory_space<hbm>>
    %dma_start3A_11 = arith.constant 0 : i32
    %dma_start3A_12 = arith.constant 0 : i32
    %dma_start3A_13 = tpu.memref_slice %arg7[%dma_start3A, %dma_start3A_11, %dma_start3A_12] : memref<2x16x1024xf32, #tpu.memory_space<vmem>> -> memref<1x16x1024xf32, #tpu.memory_space<vmem>>
    %dma_start3A_14 = tpu.memref_squeeze %dma_start3A_13 : memref<1x16x1024xf32, #tpu.memory_space<vmem>> -> memref<16x1024xf32, #tpu.memory_space<vmem>>
    %dma_start3A_15 = arith.constant 0 : i32
    %dma_start3A_16 = tpu.memref_slice %arg2[%add3A_4, %dma_start3A_15] : memref<32768x1024xf32, #tpu.memory_space<hbm>> -> memref<16x1024xf32, #tpu.memory_space<hbm>>
    tpu.enqueue_dma source(%dma_start3A_16 : memref<16x1024xf32, #tpu.memory_space<hbm>>) target(%dma_start3A_14 : memref<16x1024xf32, #tpu.memory_space<vmem>>) target_semaphore(%arg9 : memref<!tpu.dma_semaphore, #tpu.memory_space<semaphore_mem>>)
    %scan3A = arith.constant 0 : i32
    %scan3A_17 = arith.constant 0 : i32
    %scan3A_18 = arith.constant 16 : i32
    %scan3A_19 = arith.addi %scan3A_17, %scan3A_18 : i32
    %scan3A_20 = arith.constant 1 : i32
    %scan3A_21 = scf.for %scan3A_52 = %scan3A_17 to %scan3A_19 step %scan3A_20 iter_args(%scan3A_53 = %scan3A) -> (i32)  : i32 {
      %mul3A_54 = arith.constant 2 : i32
      %mul3A_55 = arith.muli %mul3A_54, %scan3A_52 : i32
      %add3A_56 = arith.constant 0 : i32
      %add3A_57 = arith.addi %mul3A_55, %add3A_56 : i32
      %add3A_58 = arith.constant 1 : i32
      %add3A_59 = arith.addi %add3A_57, %add3A_58 : i32
      %lt3A = arith.constant 32 : i32
      %lt3A_60 = arith.cmpi slt, %add3A_59, %lt3A : i32
      %convert_element_type3A = arith.extui %lt3A_60 : i1 to i32
      %cond3A = arith.constant 0 : i32
      %cond3A_61 = arith.cmpi ne, %convert_element_type3A, %cond3A : i32
      scf.if %cond3A_61 {
        %add3A_152 = arith.constant 1 : i32
        %add3A_153 = arith.addi %add3A_57, %add3A_152 : i32
        %mul3A_154 = arith.constant 16 : i32
        %mul3A_155 = arith.muli %add3A_153, %mul3A_154 : i32
        %add3A_156 = arith.addi %mul3A_2, %mul3A_155 : i32
        %dma_start3A_157 = arith.constant 1 : i32
        %dma_start3A_158 = arith.constant 0 : i32
        %dma_start3A_159 = arith.constant 0 : i32
        %dma_start3A_160 = tpu.memref_slice %arg7[%dma_start3A_157, %dma_start3A_158, %dma_start3A_159] : memref<2x16x1024xf32, #tpu.memory_space<vmem>> -> memref<1x16x1024xf32, #tpu.memory_space<vmem>>
        %dma_start3A_161 = tpu.memref_squeeze %dma_start3A_160 : memref<1x16x1024xf32, #tpu.memory_space<vmem>> -> memref<16x1024xf32, #tpu.memory_space<vmem>>
        %dma_start3A_162 = arith.constant 0 : i32
        %dma_start3A_163 = tpu.memref_slice %arg2[%add3A_156, %dma_start3A_162] : memref<32768x1024xf32, #tpu.memory_space<hbm>> -> memref<16x1024xf32, #tpu.memory_space<hbm>>
        %dma_start3A_164 = arith.constant 0 : i32
        %dma_start3A_165 = arith.constant 0 : i32
        %dma_start3A_166 = tpu.memref_slice %arg7[%dma_start3A_157, %dma_start3A_164, %dma_start3A_165] : memref<2x16x1024xf32, #tpu.memory_space<vmem>> -> memref<1x16x1024xf32, #tpu.memory_space<vmem>>
        %dma_start3A_167 = tpu.memref_squeeze %dma_start3A_166 : memref<1x16x1024xf32, #tpu.memory_space<vmem>> -> memref<16x1024xf32, #tpu.memory_space<vmem>>
        %dma_start3A_168 = arith.constant 0 : i32
        %dma_start3A_169 = tpu.memref_slice %arg2[%add3A_156, %dma_start3A_168] : memref<32768x1024xf32, #tpu.memory_space<hbm>> -> memref<16x1024xf32, #tpu.memory_space<hbm>>
        tpu.enqueue_dma source(%dma_start3A_169 : memref<16x1024xf32, #tpu.memory_space<hbm>>) target(%dma_start3A_167 : memref<16x1024xf32, #tpu.memory_space<vmem>>) target_semaphore(%arg10 : memref<!tpu.dma_semaphore, #tpu.memory_space<semaphore_mem>>)
      } else {
      }
      %mul3A_62 = arith.constant 16 : i32
      %mul3A_63 = arith.muli %add3A_57, %mul3A_62 : i32
      %add3A_64 = arith.addi %mul3A_2, %mul3A_63 : i32
      %dma_wait3A_65 = arith.constant 0 : i32
      %dma_wait3A_66 = arith.constant 0 : i32
      %dma_wait3A_67 = arith.constant 0 : i32
      %dma_wait3A_68 = tpu.memref_slice %arg7[%dma_wait3A_65, %dma_wait3A_66, %dma_wait3A_67] : memref<2x16x1024xf32, #tpu.memory_space<vmem>> -> memref<1x16x1024xf32, #tpu.memory_space<vmem>>
      %dma_wait3A_69 = tpu.memref_squeeze %dma_wait3A_68 : memref<1x16x1024xf32, #tpu.memory_space<vmem>> -> memref<16x1024xf32, #tpu.memory_space<vmem>>
      %dma_wait3A_70 = arith.constant 0 : i32
      %dma_wait3A_71 = tpu.memref_slice %arg2[%add3A_64, %dma_wait3A_70] : memref<32768x1024xf32, #tpu.memory_space<hbm>> -> memref<16x1024xf32, #tpu.memory_space<hbm>>
      %dma_wait3A_72 = arith.constant 0 : i32
      %dma_wait3A_73 = arith.constant 0 : i32
      %dma_wait3A_74 = tpu.memref_slice %arg7[%dma_wait3A_65, %dma_wait3A_72, %dma_wait3A_73] : memref<2x16x1024xf32, #tpu.memory_space<vmem>> -> memref<1x16x1024xf32, #tpu.memory_space<vmem>>
      %dma_wait3A_75 = tpu.memref_squeeze %dma_wait3A_74 : memref<1x16x1024xf32, #tpu.memory_space<vmem>> -> memref<16x1024xf32, #tpu.memory_space<vmem>>
      %dma_wait3A_76 = arith.constant 0 : i32
      %dma_wait3A_77 = tpu.memref_slice %arg2[%add3A_64, %dma_wait3A_76] : memref<32768x1024xf32, #tpu.memory_space<hbm>> -> memref<16x1024xf32, #tpu.memory_space<hbm>>
      tpu.wait_dma2 semaphore(%arg9 : memref<!tpu.dma_semaphore, #tpu.memory_space<semaphore_mem>>) src(%dma_wait3A_77 : memref<16x1024xf32, #tpu.memory_space<hbm>>) dst(%dma_wait3A_75 : memref<16x1024xf32, #tpu.memory_space<vmem>>)
      %ge3A = arith.constant 2 : i32
      %ge3A_78 = arith.cmpi sge, %add3A_57, %ge3A : i32
      %convert_element_type3A_79 = arith.extui %ge3A_78 : i1 to i32
      %cond3A_80 = arith.constant 0 : i32
      %cond3A_81 = arith.cmpi ne, %convert_element_type3A_79, %cond3A_80 : i32
      scf.if %cond3A_81 {
        %sub3A = arith.constant 2 : i32
        %sub3A_152 = arith.subi %add3A_57, %sub3A : i32
        %mul3A_153 = arith.constant 16 : i32
        %mul3A_154 = arith.muli %sub3A_152, %mul3A_153 : i32
        %add3A_155 = arith.addi %mul3A_2, %mul3A_154 : i32
        %dma_wait3A_156 = arith.constant 0 : i32
        %dma_wait3A_157 = arith.constant 0 : i32
        %dma_wait3A_158 = arith.constant 0 : i32
        %dma_wait3A_159 = tpu.memref_slice %arg8[%dma_wait3A_156, %dma_wait3A_157, %dma_wait3A_158] : memref<2x16x1024xf32, #tpu.memory_space<vmem>> -> memref<1x16x1024xf32, #tpu.memory_space<vmem>>
        %dma_wait3A_160 = tpu.memref_squeeze %dma_wait3A_159 : memref<1x16x1024xf32, #tpu.memory_space<vmem>> -> memref<16x1024xf32, #tpu.memory_space<vmem>>
        %dma_wait3A_161 = arith.constant 0 : i32
        %dma_wait3A_162 = tpu.memref_slice %arg4[%add3A_155, %dma_wait3A_161] : memref<16384x1024xf32, #tpu.memory_space<hbm>> -> memref<16x1024xf32, #tpu.memory_space<hbm>>
        %dma_wait3A_163 = arith.constant 0 : i32
        %dma_wait3A_164 = tpu.memref_slice %arg4[%add3A_155, %dma_wait3A_163] : memref<16384x1024xf32, #tpu.memory_space<hbm>> -> memref<16x1024xf32, #tpu.memory_space<hbm>>
        %dma_wait3A_165 = arith.constant 0 : i32
        %dma_wait3A_166 = arith.constant 0 : i32
        %dma_wait3A_167 = tpu.memref_slice %arg8[%dma_wait3A_156, %dma_wait3A_165, %dma_wait3A_166] : memref<2x16x1024xf32, #tpu.memory_space<vmem>> -> memref<1x16x1024xf32, #tpu.memory_space<vmem>>
        %dma_wait3A_168 = tpu.memref_squeeze %dma_wait3A_167 : memref<1x16x1024xf32, #tpu.memory_space<vmem>> -> memref<16x1024xf32, #tpu.memory_space<vmem>>
        tpu.wait_dma2 semaphore(%arg11 : memref<!tpu.dma_semaphore, #tpu.memory_space<semaphore_mem>>) src(%dma_wait3A_168 : memref<16x1024xf32, #tpu.memory_space<vmem>>) dst(%dma_wait3A_164 : memref<16x1024xf32, #tpu.memory_space<hbm>>)
      } else {
      }
      %parallel_loop3A = arith.constant 0 : i32
      %parallel_loop3A_82 = arith.constant 1024 : i32
      %parallel_loop3A_83 = arith.constant 1 : i32
      scf.for %parallel_loop3A_152 = %parallel_loop3A to %parallel_loop3A_82 step %parallel_loop3A_83  : i32 {
        %parallel_loop3A_153 = arith.constant 6 : i32
        %parallel_loop3A_154 = arith.shrui %parallel_loop3A_152, %parallel_loop3A_153 : i32
        %parallel_loop3A_155 = arith.constant 63 : i32
        %parallel_loop3A_156 = arith.andi %parallel_loop3A_152, %parallel_loop3A_155 : i32
        %parallel_loop3A_157 = arith.constant 4 : i32
        %parallel_loop3A_158 = arith.shli %parallel_loop3A_156, %parallel_loop3A_157 : i32
        %parallel_loop3A_159 = arith.constant 0 : i32
        %parallel_loop3A_160 = arith.index_cast %parallel_loop3A_159 : i32 to index
        %parallel_loop3A_161 = arith.index_cast %parallel_loop3A_154 : i32 to index
        %parallel_loop3A_162 = arith.index_cast %parallel_loop3A_158 : i32 to index
        %parallel_loop3A_163 = tpu.vector_load %arg7[%parallel_loop3A_160, %parallel_loop3A_161, %parallel_loop3A_162] {strides = array<i32>} : memref<2x16x1024xf32, #tpu.memory_space<vmem>>, vector<16xf32>,
        %parallel_loop3A_164 = arith.constant 3.100000e+01 : f32
        %parallel_loop3A_165 = vector.broadcast %parallel_loop3A_164 : f32 to vector<16xf32>
        %parallel_loop3A_166 = arith.mulf %parallel_loop3A_163, %parallel_loop3A_165 : vector<16xf32>
        %parallel_loop3A_167 = arith.constant 3.100000e+01 : f32
        %parallel_loop3A_168 = vector.broadcast %parallel_loop3A_167 : f32 to vector<16xf32>
        %parallel_loop3A_169 = arith.addf %parallel_loop3A_166, %parallel_loop3A_168 : vector<16xf32>
        %parallel_loop3A_170 = arith.constant 0.000000e+00 : f32
        %parallel_loop3A_171 = vector.broadcast %parallel_loop3A_170 : f32 to vector<16xf32>
        %parallel_loop3A_172 = arith.maximumf %parallel_loop3A_169, %parallel_loop3A_171 : vector<16xf32>
        %parallel_loop3A_173 = arith.constant 6.200000e+01 : f32
        %parallel_loop3A_174 = vector.broadcast %parallel_loop3A_173 : f32 to vector<16xf32>
        %parallel_loop3A_175 = arith.minimumf %parallel_loop3A_172, %parallel_loop3A_174 : vector<16xf32>
        %parallel_loop3A_176 = arith.fptosi %parallel_loop3A_175 : vector<16xf32> to vector<16xi32>
        %parallel_loop3A_177 = arith.sitofp %parallel_loop3A_176 : vector<16xi32> to vector<16xf32>
        %parallel_loop3A_178 = arith.subf %parallel_loop3A_175, %parallel_loop3A_177 : vector<16xf32>
        %parallel_loop3A_179 = tpu.vector_load_idx %arg5[%parallel_loop3A_176] : memref<64xf32, #tpu.memory_space<vmem>>[vector<16xi32>], vector<16xf32>,
        %parallel_loop3A_180 = tpu.vector_load_idx %arg6[%parallel_loop3A_176] : memref<64xf32, #tpu.memory_space<vmem>>[vector<16xi32>], vector<16xf32>,
        %parallel_loop3A_181 = arith.subf %parallel_loop3A_180, %parallel_loop3A_179 : vector<16xf32>
        %parallel_loop3A_182 = arith.mulf %parallel_loop3A_178, %parallel_loop3A_181 : vector<16xf32>
        %parallel_loop3A_183 = arith.addf %parallel_loop3A_179, %parallel_loop3A_182 : vector<16xf32>
        %parallel_loop3A_184 = arith.constant 0 : i32
        %parallel_loop3A_185 = arith.index_cast %parallel_loop3A_184 : i32 to index
        %parallel_loop3A_186 = arith.index_cast %parallel_loop3A_154 : i32 to index
        %parallel_loop3A_187 = arith.index_cast %parallel_loop3A_158 : i32 to index
        %parallel_loop3A_188 = tpu.vector_load %arg8[%parallel_loop3A_185, %parallel_loop3A_186, %parallel_loop3A_187] {strides = array<i32>} : memref<2x16x1024xf32, #tpu.memory_space<vmem>>, vector<16xf32>,
        tpu.vector_store %arg8[%parallel_loop3A_185, %parallel_loop3A_186, %parallel_loop3A_187], %parallel_loop3A_183 {strides = array<i32>} : memref<2x16x1024xf32, #tpu.memory_space<vmem>>, vector<16xf32>,
      } {sc.loop_unroll_factor = 16 : i64, sc.parallel_access}
      %mul3A_84 = arith.constant 16 : i32
      %mul3A_85 = arith.muli %add3A_57, %mul3A_84 : i32
      %add3A_86 = arith.addi %mul3A_2, %mul3A_85 : i32
      %dma_start3A_87 = arith.constant 0 : i32
      %dma_start3A_88 = arith.constant 0 : i32
      %dma_start3A_89 = arith.constant 0 : i32
      %dma_start3A_90 = tpu.memref_slice %arg8[%dma_start3A_87, %dma_start3A_88, %dma_start3A_89] : memref<2x16x1024xf32, #tpu.memory_space<vmem>> -> memref<1x16x1024xf32, #tpu.memory_space<vmem>>
      %dma_start3A_91 = tpu.memref_squeeze %dma_start3A_90 : memref<1x16x1024xf32, #tpu.memory_space<vmem>> -> memref<16x1024xf32, #tpu.memory_space<vmem>>
      %dma_start3A_92 = arith.constant 0 : i32
      %dma_start3A_93 = tpu.memref_slice %arg4[%add3A_86, %dma_start3A_92] : memref<16384x1024xf32, #tpu.memory_space<hbm>> -> memref<16x1024xf32, #tpu.memory_space<hbm>>
      %dma_start3A_94 = arith.constant 0 : i32
      %dma_start3A_95 = tpu.memref_slice %arg4[%add3A_86, %dma_start3A_94] : memref<16384x1024xf32, #tpu.memory_space<hbm>> -> memref<16x1024xf32, #tpu.memory_space<hbm>>
      %dma_start3A_96 = arith.constant 0 : i32
      %dma_start3A_97 = arith.constant 0 : i32
      %dma_start3A_98 = tpu.memref_slice %arg8[%dma_start3A_87, %dma_start3A_96, %dma_start3A_97] : memref<2x16x1024xf32, #tpu.memory_space<vmem>> -> memref<1x16x1024xf32, #tpu.memory_space<vmem>>
      %dma_start3A_99 = tpu.memref_squeeze %dma_start3A_98 : memref<1x16x1024xf32, #tpu.memory_space<vmem>> -> memref<16x1024xf32, #tpu.memory_space<vmem>>
      tpu.enqueue_dma source(%dma_start3A_99 : memref<16x1024xf32, #tpu.memory_space<vmem>>) target(%dma_start3A_95 : memref<16x1024xf32, #tpu.memory_space<hbm>>) target_semaphore(%arg11 : memref<!tpu.dma_semaphore, #tpu.memory_space<semaphore_mem>>)
      %mul3A_100 = arith.constant 2 : i32
      %mul3A_101 = arith.muli %mul3A_100, %scan3A_52 : i32
      %add3A_102 = arith.constant 1 : i32
      %add3A_103 = arith.addi %mul3A_101, %add3A_102 : i32
      %add3A_104 = arith.constant 1 : i32
      %add3A_105 = arith.addi %add3A_103, %add3A_104 : i32
      %lt3A_106 = arith.constant 32 : i32
      %lt3A_107 = arith.cmpi slt, %add3A_105, %lt3A_106 : i32
      %convert_element_type3A_108 = arith.extui %lt3A_107 : i1 to i32
      %cond3A_109 = arith.constant 0 : i32
      %cond3A_110 = arith.cmpi ne, %convert_element_type3A_108, %cond3A_109 : i32
      scf.if %cond3A_110 {
        %add3A_152 = arith.constant 1 : i32
        %add3A_153 = arith.addi %add3A_103, %add3A_152 : i32
        %mul3A_154 = arith.constant 16 : i32
        %mul3A_155 = arith.muli %add3A_153, %mul3A_154 : i32
        %add3A_156 = arith.addi %mul3A_2, %mul3A_155 : i32
        %dma_start3A_157 = arith.constant 0 : i32
        %dma_start3A_158 = arith.constant 0 : i32
        %dma_start3A_159 = arith.constant 0 : i32
        %dma_start3A_160 = tpu.memref_slice %arg7[%dma_start3A_157, %dma_start3A_158, %dma_start3A_159] : memref<2x16x1024xf32, #tpu.memory_space<vmem>> -> memref<1x16x1024xf32, #tpu.memory_space<vmem>>
        %dma_start3A_161 = tpu.memref_squeeze %dma_start3A_160 : memref<1x16x1024xf32, #tpu.memory_space<vmem>> -> memref<16x1024xf32, #tpu.memory_space<vmem>>
        %dma_start3A_162 = arith.constant 0 : i32
        %dma_start3A_163 = tpu.memref_slice %arg2[%add3A_156, %dma_start3A_162] : memref<32768x1024xf32, #tpu.memory_space<hbm>> -> memref<16x1024xf32, #tpu.memory_space<hbm>>
        %dma_start3A_164 = arith.constant 0 : i32
        %dma_start3A_165 = arith.constant 0 : i32
        %dma_start3A_166 = tpu.memref_slice %arg7[%dma_start3A_157, %dma_start3A_164, %dma_start3A_165] : memref<2x16x1024xf32, #tpu.memory_space<vmem>> -> memref<1x16x1024xf32, #tpu.memory_space<vmem>>
        %dma_start3A_167 = tpu.memref_squeeze %dma_start3A_166 : memref<1x16x1024xf32, #tpu.memory_space<vmem>> -> memref<16x1024xf32, #tpu.memory_space<vmem>>
        %dma_start3A_168 = arith.constant 0 : i32
        %dma_start3A_169 = tpu.memref_slice %arg2[%add3A_156, %dma_start3A_168] : memref<32768x1024xf32, #tpu.memory_space<hbm>> -> memref<16x1024xf32, #tpu.memory_space<hbm>>
        tpu.enqueue_dma source(%dma_start3A_169 : memref<16x1024xf32, #tpu.memory_space<hbm>>) target(%dma_start3A_167 : memref<16x1024xf32, #tpu.memory_space<vmem>>) target_semaphore(%arg9 : memref<!tpu.dma_semaphore, #tpu.memory_space<semaphore_mem>>)
      } else {
      }
      %mul3A_111 = arith.constant 16 : i32
      %mul3A_112 = arith.muli %add3A_103, %mul3A_111 : i32
      %add3A_113 = arith.addi %mul3A_2, %mul3A_112 : i32
      %dma_wait3A_114 = arith.constant 1 : i32
      %dma_wait3A_115 = arith.constant 0 : i32
      %dma_wait3A_116 = arith.constant 0 : i32
      %dma_wait3A_117 = tpu.memref_slice %arg7[%dma_wait3A_114, %dma_wait3A_115, %dma_wait3A_116] : memref<2x16x1024xf32, #tpu.memory_space<vmem>> -> memref<1x16x1024xf32, #tpu.memory_space<vmem>>
      %dma_wait3A_118 = tpu.memref_squeeze %dma_wait3A_117 : memref<1x16x1024xf32, #tpu.memory_space<vmem>> -> memref<16x1024xf32, #tpu.memory_space<vmem>>
      %dma_wait3A_119 = arith.constant 0 : i32
      %dma_wait3A_120 = tpu.memref_slice %arg2[%add3A_113, %dma_wait3A_119] : memref<32768x1024xf32, #tpu.memory_space<hbm>> -> memref<16x1024xf32, #tpu.memory_space<hbm>>
      %dma_wait3A_121 = arith.constant 0 : i32
      %dma_wait3A_122 = arith.constant 0 : i32
      %dma_wait3A_123 = tpu.memref_slice %arg7[%dma_wait3A_114, %dma_wait3A_121, %dma_wait3A_122] : memref<2x16x1024xf32, #tpu.memory_space<vmem>> -> memref<1x16x1024xf32, #tpu.memory_space<vmem>>
      %dma_wait3A_124 = tpu.memref_squeeze %dma_wait3A_123 : memref<1x16x1024xf32, #tpu.memory_space<vmem>> -> memref<16x1024xf32, #tpu.memory_space<vmem>>
      %dma_wait3A_125 = arith.constant 0 : i32
      %dma_wait3A_126 = tpu.memref_slice %arg2[%add3A_113, %dma_wait3A_125] : memref<32768x1024xf32, #tpu.memory_space<hbm>> -> memref<16x1024xf32, #tpu.memory_space<hbm>>
      tpu.wait_dma2 semaphore(%arg10 : memref<!tpu.dma_semaphore, #tpu.memory_space<semaphore_mem>>) src(%dma_wait3A_126 : memref<16x1024xf32, #tpu.memory_space<hbm>>) dst(%dma_wait3A_124 : memref<16x1024xf32, #tpu.memory_space<vmem>>)
      %ge3A_127 = arith.constant 2 : i32
      %ge3A_128 = arith.cmpi sge, %add3A_103, %ge3A_127 : i32
      %convert_element_type3A_129 = arith.extui %ge3A_128 : i1 to i32
      %cond3A_130 = arith.constant 0 : i32
      %cond3A_131 = arith.cmpi ne, %convert_element_type3A_129, %cond3A_130 : i32
      scf.if %cond3A_131 {
        %sub3A = arith.constant 2 : i32
        %sub3A_152 = arith.subi %add3A_103, %sub3A : i32
        %mul3A_153 = arith.constant 16 : i32
        %mul3A_154 = arith.muli %sub3A_152, %mul3A_153 : i32
        %add3A_155 = arith.addi %mul3A_2, %mul3A_154 : i32
        %dma_wait3A_156 = arith.constant 1 : i32
        %dma_wait3A_157 = arith.constant 0 : i32
        %dma_wait3A_158 = arith.constant 0 : i32
        %dma_wait3A_159 = tpu.memref_slice %arg8[%dma_wait3A_156, %dma_wait3A_157, %dma_wait3A_158] : memref<2x16x1024xf32, #tpu.memory_space<vmem>> -> memref<1x16x1024xf32, #tpu.memory_space<vmem>>
        %dma_wait3A_160 = tpu.memref_squeeze %dma_wait3A_159 : memref<1x16x1024xf32, #tpu.memory_space<vmem>> -> memref<16x1024xf32, #tpu.memory_space<vmem>>
        %dma_wait3A_161 = arith.constant 0 : i32
        %dma_wait3A_162 = tpu.memref_slice %arg4[%add3A_155, %dma_wait3A_161] : memref<16384x1024xf32, #tpu.memory_space<hbm>> -> memref<16x1024xf32, #tpu.memory_space<hbm>>
        %dma_wait3A_163 = arith.constant 0 : i32
        %dma_wait3A_164 = tpu.memref_slice %arg4[%add3A_155, %dma_wait3A_163] : memref<16384x1024xf32, #tpu.memory_space<hbm>> -> memref<16x1024xf32, #tpu.memory_space<hbm>>
        %dma_wait3A_165 = arith.constant 0 : i32
        %dma_wait3A_166 = arith.constant 0 : i32
        %dma_wait3A_167 = tpu.memref_slice %arg8[%dma_wait3A_156, %dma_wait3A_165, %dma_wait3A_166] : memref<2x16x1024xf32, #tpu.memory_space<vmem>> -> memref<1x16x1024xf32, #tpu.memory_space<vmem>>
        %dma_wait3A_168 = tpu.memref_squeeze %dma_wait3A_167 : memref<1x16x1024xf32, #tpu.memory_space<vmem>> -> memref<16x1024xf32, #tpu.memory_space<vmem>>
        tpu.wait_dma2 semaphore(%arg12 : memref<!tpu.dma_semaphore, #tpu.memory_space<semaphore_mem>>) src(%dma_wait3A_168 : memref<16x1024xf32, #tpu.memory_space<vmem>>) dst(%dma_wait3A_164 : memref<16x1024xf32, #tpu.memory_space<hbm>>)
      } else {
      }
      %parallel_loop3A_132 = arith.constant 0 : i32
      %parallel_loop3A_133 = arith.constant 1024 : i32
      %parallel_loop3A_134 = arith.constant 1 : i32
      scf.for %parallel_loop3A_152 = %parallel_loop3A_132 to %parallel_loop3A_133 step %parallel_loop3A_134  : i32 {
        %parallel_loop3A_153 = arith.constant 6 : i32
        %parallel_loop3A_154 = arith.shrui %parallel_loop3A_152, %parallel_loop3A_153 : i32
        %parallel_loop3A_155 = arith.constant 63 : i32
        %parallel_loop3A_156 = arith.andi %parallel_loop3A_152, %parallel_loop3A_155 : i32
        %parallel_loop3A_157 = arith.constant 4 : i32
        %parallel_loop3A_158 = arith.shli %parallel_loop3A_156, %parallel_loop3A_157 : i32
        %parallel_loop3A_159 = arith.constant 1 : i32
        %parallel_loop3A_160 = arith.index_cast %parallel_loop3A_159 : i32 to index
        %parallel_loop3A_161 = arith.index_cast %parallel_loop3A_154 : i32 to index
        %parallel_loop3A_162 = arith.index_cast %parallel_loop3A_158 : i32 to index
        %parallel_loop3A_163 = tpu.vector_load %arg7[%parallel_loop3A_160, %parallel_loop3A_161, %parallel_loop3A_162] {strides = array<i32>} : memref<2x16x1024xf32, #tpu.memory_space<vmem>>, vector<16xf32>,
        %parallel_loop3A_164 = arith.constant 3.100000e+01 : f32
        %parallel_loop3A_165 = vector.broadcast %parallel_loop3A_164 : f32 to vector<16xf32>
        %parallel_loop3A_166 = arith.mulf %parallel_loop3A_163, %parallel_loop3A_165 : vector<16xf32>
        %parallel_loop3A_167 = arith.constant 3.100000e+01 : f32
        %parallel_loop3A_168 = vector.broadcast %parallel_loop3A_167 : f32 to vector<16xf32>
        %parallel_loop3A_169 = arith.addf %parallel_loop3A_166, %parallel_loop3A_168 : vector<16xf32>
        %parallel_loop3A_170 = arith.constant 0.000000e+00 : f32
        %parallel_loop3A_171 = vector.broadcast %parallel_loop3A_170 : f32 to vector<16xf32>
        %parallel_loop3A_172 = arith.maximumf %parallel_loop3A_169, %parallel_loop3A_171 : vector<16xf32>
        %parallel_loop3A_173 = arith.constant 6.200000e+01 : f32
        %parallel_loop3A_174 = vector.broadcast %parallel_loop3A_173 : f32 to vector<16xf32>
        %parallel_loop3A_175 = arith.minimumf %parallel_loop3A_172, %parallel_loop3A_174 : vector<16xf32>
        %parallel_loop3A_176 = arith.fptosi %parallel_loop3A_175 : vector<16xf32> to vector<16xi32>
        %parallel_loop3A_177 = arith.sitofp %parallel_loop3A_176 : vector<16xi32> to vector<16xf32>
        %parallel_loop3A_178 = arith.subf %parallel_loop3A_175, %parallel_loop3A_177 : vector<16xf32>
        %parallel_loop3A_179 = tpu.vector_load_idx %arg5[%parallel_loop3A_176] : memref<64xf32, #tpu.memory_space<vmem>>[vector<16xi32>], vector<16xf32>,
        %parallel_loop3A_180 = tpu.vector_load_idx %arg6[%parallel_loop3A_176] : memref<64xf32, #tpu.memory_space<vmem>>[vector<16xi32>], vector<16xf32>,
        %parallel_loop3A_181 = arith.subf %parallel_loop3A_180, %parallel_loop3A_179 : vector<16xf32>
        %parallel_loop3A_182 = arith.mulf %parallel_loop3A_178, %parallel_loop3A_181 : vector<16xf32>
        %parallel_loop3A_183 = arith.addf %parallel_loop3A_179, %parallel_loop3A_182 : vector<16xf32>
        %parallel_loop3A_184 = arith.constant 1 : i32
        %parallel_loop3A_185 = arith.index_cast %parallel_loop3A_184 : i32 to index
        %parallel_loop3A_186 = arith.index_cast %parallel_loop3A_154 : i32 to index
        %parallel_loop3A_187 = arith.index_cast %parallel_loop3A_158 : i32 to index
        %parallel_loop3A_188 = tpu.vector_load %arg8[%parallel_loop3A_185, %parallel_loop3A_186, %parallel_loop3A_187] {strides = array<i32>} : memref<2x16x1024xf32, #tpu.memory_space<vmem>>, vector<16xf32>,
        tpu.vector_store %arg8[%parallel_loop3A_185, %parallel_loop3A_186, %parallel_loop3A_187], %parallel_loop3A_183 {strides = array<i32>} : memref<2x16x1024xf32, #tpu.memory_space<vmem>>, vector<16xf32>,
      } {sc.loop_unroll_factor = 16 : i64, sc.parallel_access}
      %mul3A_135 = arith.constant 16 : i32
      %mul3A_136 = arith.muli %add3A_103, %mul3A_135 : i32
      %add3A_137 = arith.addi %mul3A_2, %mul3A_136 : i32
      %dma_start3A_138 = arith.constant 1 : i32
      %dma_start3A_139 = arith.constant 0 : i32
      %dma_start3A_140 = arith.constant 0 : i32
      %dma_start3A_141 = tpu.memref_slice %arg8[%dma_start3A_138, %dma_start3A_139, %dma_start3A_140] : memref<2x16x1024xf32, #tpu.memory_space<vmem>> -> memref<1x16x1024xf32, #tpu.memory_space<vmem>>
      %dma_start3A_142 = tpu.memref_squeeze %dma_start3A_141 : memref<1x16x1024xf32, #tpu.memory_space<vmem>> -> memref<16x1024xf32, #tpu.memory_space<vmem>>
      %dma_start3A_143 = arith.constant 0 : i32
      %dma_start3A_144 = tpu.memref_slice %arg4[%add3A_137, %dma_start3A_143] : memref<16384x1024xf32, #tpu.memory_space<hbm>> -> memref<16x1024xf32, #tpu.memory_space<hbm>>
      %dma_start3A_145 = arith.constant 0 : i32
      %dma_start3A_146 = tpu.memref_slice %arg4[%add3A_137, %dma_start3A_145] : memref<16384x1024xf32, #tpu.memory_space<hbm>> -> memref<16x1024xf32, #tpu.memory_space<hbm>>
      %dma_start3A_147 = arith.constant 0 : i32
      %dma_start3A_148 = arith.constant 0 : i32
      %dma_start3A_149 = tpu.memref_slice %arg8[%dma_start3A_138, %dma_start3A_147, %dma_start3A_148] : memref<2x16x1024xf32, #tpu.memory_space<vmem>> -> memref<1x16x1024xf32, #tpu.memory_space<vmem>>
      %dma_start3A_150 = tpu.memref_squeeze %dma_start3A_149 : memref<1x16x1024xf32, #tpu.memory_space<vmem>> -> memref<16x1024xf32, #tpu.memory_space<vmem>>
      tpu.enqueue_dma source(%dma_start3A_150 : memref<16x1024xf32, #tpu.memory_space<vmem>>) target(%dma_start3A_146 : memref<16x1024xf32, #tpu.memory_space<hbm>>) target_semaphore(%arg12 : memref<!tpu.dma_semaphore, #tpu.memory_space<semaphore_mem>>)
      %scan3A_151 = arith.constant 0 : i32
      scf.yield %scan3A_151 : i32
    }
    %scan3A_22 = arith.constant 16 : i32
    %add3A_23 = arith.constant 480 : i32
    %add3A_24 = arith.addi %mul3A_2, %add3A_23 : i32
    %dma_wait3A = arith.constant 0 : i32
    %dma_wait3A_25 = arith.constant 0 : i32
    %dma_wait3A_26 = arith.constant 0 : i32
    %dma_wait3A_27 = tpu.memref_slice %arg8[%dma_wait3A, %dma_wait3A_25, %dma_wait3A_26] : memref<2x16x1024xf32, #tpu.memory_space<vmem>> -> memref<1x16x1024xf32, #tpu.memory_space<vmem>>
    %dma_wait3A_28 = tpu.memref_squeeze %dma_wait3A_27 : memref<1x16x1024xf32, #tpu.memory_space<vmem>> -> memref<16x1024xf32, #tpu.memory_space<vmem>>
    %dma_wait3A_29 = arith.constant 0 : i32
    %dma_wait3A_30 = tpu.memref_slice %arg4[%add3A_24, %dma_wait3A_29] : memref<16384x1024xf32, #tpu.memory_space<hbm>> -> memref<16x1024xf32, #tpu.memory_space<hbm>>
    %dma_wait3A_31 = arith.constant 0 : i32
    %dma_wait3A_32 = tpu.memref_slice %arg4[%add3A_24, %dma_wait3A_31] : memref<16384x1024xf32, #tpu.memory_space<hbm>> -> memref<16x1024xf32, #tpu.memory_space<hbm>>
    %dma_wait3A_33 = arith.constant 0 : i32
    %dma_wait3A_34 = arith.constant 0 : i32
    %dma_wait3A_35 = tpu.memref_slice %arg8[%dma_wait3A, %dma_wait3A_33, %dma_wait3A_34] : memref<2x16x1024xf32, #tpu.memory_space<vmem>> -> memref<1x16x1024xf32, #tpu.memory_space<vmem>>
    %dma_wait3A_36 = tpu.memref_squeeze %dma_wait3A_35 : memref<1x16x1024xf32, #tpu.memory_space<vmem>> -> memref<16x1024xf32, #tpu.memory_space<vmem>>
    tpu.wait_dma2 semaphore(%arg11 : memref<!tpu.dma_semaphore, #tpu.memory_space<semaphore_mem>>) src(%dma_wait3A_36 : memref<16x1024xf32, #tpu.memory_space<vmem>>) dst(%dma_wait3A_32 : memref<16x1024xf32, #tpu.memory_space<hbm>>)
    %add3A_37 = arith.constant 496 : i32
    %add3A_38 = arith.addi %mul3A_2, %add3A_37 : i32
    %dma_wait3A_39 = arith.constant 1 : i32
    %dma_wait3A_40 = arith.constant 0 : i32
    %dma_wait3A_41 = arith.constant 0 : i32
    %dma_wait3A_42 = tpu.memref_slice %arg8[%dma_wait3A_39, %dma_wait3A_40, %dma_wait3A_41] : memref<2x16x1024xf32, #tpu.memory_space<vmem>> -> memref<1x16x1024xf32, #tpu.memory_space<vmem>>
    %dma_wait3A_43 = tpu.memref_squeeze %dma_wait3A_42 : memref<1x16x1024xf32, #tpu.memory_space<vmem>> -> memref<16x1024xf32, #tpu.memory_space<vmem>>
    %dma_wait3A_44 = arith.constant 0 : i32
    %dma_wait3A_45 = tpu.memref_slice %arg4[%add3A_38, %dma_wait3A_44] : memref<16384x1024xf32, #tpu.memory_space<hbm>> -> memref<16x1024xf32, #tpu.memory_space<hbm>>
    %dma_wait3A_46 = arith.constant 0 : i32
    %dma_wait3A_47 = tpu.memref_slice %arg4[%add3A_38, %dma_wait3A_46] : memref<16384x1024xf32, #tpu.memory_space<hbm>> -> memref<16x1024xf32, #tpu.memory_space<hbm>>
    %dma_wait3A_48 = arith.constant 0 : i32
    %dma_wait3A_49 = arith.constant 0 : i32
    %dma_wait3A_50 = tpu.memref_slice %arg8[%dma_wait3A_39, %dma_wait3A_48, %dma_wait3A_49] : memref<2x16x1024xf32, #tpu.memory_space<vmem>> -> memref<1x16x1024xf32, #tpu.memory_space<vmem>>
    %dma_wait3A_51 = tpu.memref_squeeze %dma_wait3A_50 : memref<1x16x1024xf32, #tpu.memory_space<vmem>> -> memref<16x1024xf32, #tpu.memory_space<vmem>>
    tpu.wait_dma2 semaphore(%arg12 : memref<!tpu.dma_semaphore, #tpu.memory_space<semaphore_mem>>) src(%dma_wait3A_51 : memref<16x1024xf32, #tpu.memory_space<vmem>>) dst(%dma_wait3A_47 : memref<16x1024xf32, #tpu.memory_space<hbm>>)
    return
  }
}

module attributes {stable_mosaic.version = 14 : i64} {
  func.func @_tc_body(%arg0: i32, %arg1: memref<1x128xf32, #tpu.memory_space<vmem>>, %arg2: memref<1x128xf32, #tpu.memory_space<vmem>>, %arg3: memref<1024x1024xf32, #tpu.memory_space<vmem>>, %arg4: memref<1024x1024xf32, #tpu.memory_space<vmem>>) attributes {dimension_semantics = [#tpu.dimension_semantics<arbitrary>], iteration_bounds = array<i64: 16>, scalar_prefetch = 0 : i64, scratch_operands = 0 : i64, tpu.core_type = #tpu.core_type<tc>, window_params = [{pipeline_mode = #tpu.pipeline_mode<synchronous>, transform_indices = @transform_0, window_bounds = array<i64: 1, 128>}, {pipeline_mode = #tpu.pipeline_mode<synchronous>, transform_indices = @transform_1, window_bounds = array<i64: 1, 128>}, {transform_indices = @transform_2, window_bounds = array<i64: 1024, 1024>}, {transform_indices = @transform_3, window_bounds = array<i64: 1024, 1024>}]} {
    %get3A = arith.constant 0 : index
    %get3A_0 = arith.constant 0 : index
    %get3A_1 = vector.load %arg1[%get3A, %get3A_0] : memref<1x128xf32, #tpu.memory_space<vmem>>, vector<1x128xf32>
    %broadcast_in_dim3A = vector.shape_cast %get3A_1 : vector<1x128xf32> to vector<1x128xf32>
    %broadcast_in_dim3A_2 = vector.broadcast %broadcast_in_dim3A : vector<1x128xf32> to vector<1024x128xf32>
    %get3A_3 = arith.constant 0 : index
    %get3A_4 = arith.constant 0 : index
    %get3A_5 = vector.load %arg2[%get3A_3, %get3A_4] : memref<1x128xf32, #tpu.memory_space<vmem>>, vector<1x128xf32>
    %broadcast_in_dim3A_6 = vector.shape_cast %get3A_5 : vector<1x128xf32> to vector<1x128xf32>
    %broadcast_in_dim3A_7 = vector.broadcast %broadcast_in_dim3A_6 : vector<1x128xf32> to vector<1024x128xf32>
    %get3A_8 = arith.constant 0 : index
    %get3A_9 = arith.constant 0 : index
    %get3A_10 = vector.load %arg3[%get3A_8, %get3A_9] : memref<1024x1024xf32, #tpu.memory_space<vmem>>, vector<1024x128xf32>
    %mul3A = arith.constant 3.100000e+01 : f32
    %mul3A_11 = vector.broadcast %mul3A : f32 to vector<1024x128xf32>
    %mul3A_12 = arith.mulf %get3A_10, %mul3A_11 : vector<1024x128xf32>
    %add3A = arith.constant 3.100000e+01 : f32
    %add3A_13 = vector.broadcast %add3A : f32 to vector<1024x128xf32>
    %add3A_14 = arith.addf %mul3A_12, %add3A_13 : vector<1024x128xf32>
    %max3A = arith.constant 0.000000e+00 : f32
    %max3A_15 = vector.broadcast %max3A : f32 to vector<1024x128xf32>
    %max3A_16 = arith.maximumf %add3A_14, %max3A_15 : vector<1024x128xf32>
    %min3A = arith.constant 6.200000e+01 : f32
    %min3A_17 = vector.broadcast %min3A : f32 to vector<1024x128xf32>
    %min3A_18 = arith.minimumf %max3A_16, %min3A_17 : vector<1024x128xf32>
    %convert_element_type3A = arith.fptosi %min3A_18 : vector<1024x128xf32> to vector<1024x128xi32>
    %convert_element_type3A_19 = arith.sitofp %convert_element_type3A : vector<1024x128xi32> to vector<1024x128xf32>
    %sub3A = arith.subf %min3A_18, %convert_element_type3A_19 : vector<1024x128xf32>
    %reshape3A = vector.shape_cast %convert_element_type3A : vector<1024x128xi32> to vector<1024x128x1xi32>
    %gather3A = vector.shape_cast %reshape3A : vector<1024x128x1xi32> to vector<1024x128xi32>
    %gather3A_20 = tpu.dynamic_gather %broadcast_in_dim3A_2[%gather3A] in [1] : vector<1024x128xf32>, vector<1024x128xi32> -> vector<1024x128xf32>
    %reshape3A_21 = vector.shape_cast %convert_element_type3A : vector<1024x128xi32> to vector<1024x128x1xi32>
    %gather3A_22 = vector.shape_cast %reshape3A_21 : vector<1024x128x1xi32> to vector<1024x128xi32>
    %gather3A_23 = tpu.dynamic_gather %broadcast_in_dim3A_7[%gather3A_22] in [1] : vector<1024x128xf32>, vector<1024x128xi32> -> vector<1024x128xf32>
    %sub3A_24 = arith.subf %gather3A_23, %gather3A_20 : vector<1024x128xf32>
    %mul3A_25 = arith.mulf %sub3A, %sub3A_24 : vector<1024x128xf32>
    %add3A_26 = arith.addf %gather3A_20, %mul3A_25 : vector<1024x128xf32>
    %swap3A = arith.constant 0 : index
    %swap3A_27 = arith.constant 0 : index
    %swap3A_28 = vector.load %arg4[%swap3A, %swap3A_27] : memref<1024x1024xf32, #tpu.memory_space<vmem>>, vector<1024x128xf32>
    tpu.vector_store %arg4[%swap3A, %swap3A_27], %add3A_26 {strides = array<i32>} : memref<1024x1024xf32, #tpu.memory_space<vmem>>, vector<1024x128xf32>,
    %get3A_29 = arith.constant 0 : index
    %get3A_30 = arith.constant 128 : index
    %get3A_31 = vector.load %arg3[%get3A_29, %get3A_30] : memref<1024x1024xf32, #tpu.memory_space<vmem>>, vector<1024x128xf32>
    %mul3A_32 = arith.constant 3.100000e+01 : f32
    %mul3A_33 = vector.broadcast %mul3A_32 : f32 to vector<1024x128xf32>
    %mul3A_34 = arith.mulf %get3A_31, %mul3A_33 : vector<1024x128xf32>
    %add3A_35 = arith.constant 3.100000e+01 : f32
    %add3A_36 = vector.broadcast %add3A_35 : f32 to vector<1024x128xf32>
    %add3A_37 = arith.addf %mul3A_34, %add3A_36 : vector<1024x128xf32>
    %max3A_38 = arith.constant 0.000000e+00 : f32
    %max3A_39 = vector.broadcast %max3A_38 : f32 to vector<1024x128xf32>
    %max3A_40 = arith.maximumf %add3A_37, %max3A_39 : vector<1024x128xf32>
    %min3A_41 = arith.constant 6.200000e+01 : f32
    %min3A_42 = vector.broadcast %min3A_41 : f32 to vector<1024x128xf32>
    %min3A_43 = arith.minimumf %max3A_40, %min3A_42 : vector<1024x128xf32>
    %convert_element_type3A_44 = arith.fptosi %min3A_43 : vector<1024x128xf32> to vector<1024x128xi32>
    %convert_element_type3A_45 = arith.sitofp %convert_element_type3A_44 : vector<1024x128xi32> to vector<1024x128xf32>
    %sub3A_46 = arith.subf %min3A_43, %convert_element_type3A_45 : vector<1024x128xf32>
    %reshape3A_47 = vector.shape_cast %convert_element_type3A_44 : vector<1024x128xi32> to vector<1024x128x1xi32>
    %gather3A_48 = vector.shape_cast %reshape3A_47 : vector<1024x128x1xi32> to vector<1024x128xi32>
    %gather3A_49 = tpu.dynamic_gather %broadcast_in_dim3A_2[%gather3A_48] in [1] : vector<1024x128xf32>, vector<1024x128xi32> -> vector<1024x128xf32>
    %reshape3A_50 = vector.shape_cast %convert_element_type3A_44 : vector<1024x128xi32> to vector<1024x128x1xi32>
    %gather3A_51 = vector.shape_cast %reshape3A_50 : vector<1024x128x1xi32> to vector<1024x128xi32>
    %gather3A_52 = tpu.dynamic_gather %broadcast_in_dim3A_7[%gather3A_51] in [1] : vector<1024x128xf32>, vector<1024x128xi32> -> vector<1024x128xf32>
    %sub3A_53 = arith.subf %gather3A_52, %gather3A_49 : vector<1024x128xf32>
    %mul3A_54 = arith.mulf %sub3A_46, %sub3A_53 : vector<1024x128xf32>
    %add3A_55 = arith.addf %gather3A_49, %mul3A_54 : vector<1024x128xf32>
    %swap3A_56 = arith.constant 0 : index
    %swap3A_57 = arith.constant 128 : index
    %swap3A_58 = vector.load %arg4[%swap3A_56, %swap3A_57] : memref<1024x1024xf32, #tpu.memory_space<vmem>>, vector<1024x128xf32>
    tpu.vector_store %arg4[%swap3A_56, %swap3A_57], %add3A_55 {strides = array<i32>} : memref<1024x1024xf32, #tpu.memory_space<vmem>>, vector<1024x128xf32>,
    %get3A_59 = arith.constant 0 : index
    %get3A_60 = arith.constant 256 : index
    %get3A_61 = vector.load %arg3[%get3A_59, %get3A_60] : memref<1024x1024xf32, #tpu.memory_space<vmem>>, vector<1024x128xf32>
    %mul3A_62 = arith.constant 3.100000e+01 : f32
    %mul3A_63 = vector.broadcast %mul3A_62 : f32 to vector<1024x128xf32>
    %mul3A_64 = arith.mulf %get3A_61, %mul3A_63 : vector<1024x128xf32>
    %add3A_65 = arith.constant 3.100000e+01 : f32
    %add3A_66 = vector.broadcast %add3A_65 : f32 to vector<1024x128xf32>
    %add3A_67 = arith.addf %mul3A_64, %add3A_66 : vector<1024x128xf32>
    %max3A_68 = arith.constant 0.000000e+00 : f32
    %max3A_69 = vector.broadcast %max3A_68 : f32 to vector<1024x128xf32>
    %max3A_70 = arith.maximumf %add3A_67, %max3A_69 : vector<1024x128xf32>
    %min3A_71 = arith.constant 6.200000e+01 : f32
    %min3A_72 = vector.broadcast %min3A_71 : f32 to vector<1024x128xf32>
    %min3A_73 = arith.minimumf %max3A_70, %min3A_72 : vector<1024x128xf32>
    %convert_element_type3A_74 = arith.fptosi %min3A_73 : vector<1024x128xf32> to vector<1024x128xi32>
    %convert_element_type3A_75 = arith.sitofp %convert_element_type3A_74 : vector<1024x128xi32> to vector<1024x128xf32>
    %sub3A_76 = arith.subf %min3A_73, %convert_element_type3A_75 : vector<1024x128xf32>
    %reshape3A_77 = vector.shape_cast %convert_element_type3A_74 : vector<1024x128xi32> to vector<1024x128x1xi32>
    %gather3A_78 = vector.shape_cast %reshape3A_77 : vector<1024x128x1xi32> to vector<1024x128xi32>
    %gather3A_79 = tpu.dynamic_gather %broadcast_in_dim3A_2[%gather3A_78] in [1] : vector<1024x128xf32>, vector<1024x128xi32> -> vector<1024x128xf32>
    %reshape3A_80 = vector.shape_cast %convert_element_type3A_74 : vector<1024x128xi32> to vector<1024x128x1xi32>
    %gather3A_81 = vector.shape_cast %reshape3A_80 : vector<1024x128x1xi32> to vector<1024x128xi32>
    %gather3A_82 = tpu.dynamic_gather %broadcast_in_dim3A_7[%gather3A_81] in [1] : vector<1024x128xf32>, vector<1024x128xi32> -> vector<1024x128xf32>
    %sub3A_83 = arith.subf %gather3A_82, %gather3A_79 : vector<1024x128xf32>
    %mul3A_84 = arith.mulf %sub3A_76, %sub3A_83 : vector<1024x128xf32>
    %add3A_85 = arith.addf %gather3A_79, %mul3A_84 : vector<1024x128xf32>
    %swap3A_86 = arith.constant 0 : index
    %swap3A_87 = arith.constant 256 : index
    %swap3A_88 = vector.load %arg4[%swap3A_86, %swap3A_87] : memref<1024x1024xf32, #tpu.memory_space<vmem>>, vector<1024x128xf32>
    tpu.vector_store %arg4[%swap3A_86, %swap3A_87], %add3A_85 {strides = array<i32>} : memref<1024x1024xf32, #tpu.memory_space<vmem>>, vector<1024x128xf32>,
    %get3A_89 = arith.constant 0 : index
    %get3A_90 = arith.constant 384 : index
    %get3A_91 = vector.load %arg3[%get3A_89, %get3A_90] : memref<1024x1024xf32, #tpu.memory_space<vmem>>, vector<1024x128xf32>
    %mul3A_92 = arith.constant 3.100000e+01 : f32
    %mul3A_93 = vector.broadcast %mul3A_92 : f32 to vector<1024x128xf32>
    %mul3A_94 = arith.mulf %get3A_91, %mul3A_93 : vector<1024x128xf32>
    %add3A_95 = arith.constant 3.100000e+01 : f32
    %add3A_96 = vector.broadcast %add3A_95 : f32 to vector<1024x128xf32>
    %add3A_97 = arith.addf %mul3A_94, %add3A_96 : vector<1024x128xf32>
    %max3A_98 = arith.constant 0.000000e+00 : f32
    %max3A_99 = vector.broadcast %max3A_98 : f32 to vector<1024x128xf32>
    %max3A_100 = arith.maximumf %add3A_97, %max3A_99 : vector<1024x128xf32>
    %min3A_101 = arith.constant 6.200000e+01 : f32
    %min3A_102 = vector.broadcast %min3A_101 : f32 to vector<1024x128xf32>
    %min3A_103 = arith.minimumf %max3A_100, %min3A_102 : vector<1024x128xf32>
    %convert_element_type3A_104 = arith.fptosi %min3A_103 : vector<1024x128xf32> to vector<1024x128xi32>
    %convert_element_type3A_105 = arith.sitofp %convert_element_type3A_104 : vector<1024x128xi32> to vector<1024x128xf32>
    %sub3A_106 = arith.subf %min3A_103, %convert_element_type3A_105 : vector<1024x128xf32>
    %reshape3A_107 = vector.shape_cast %convert_element_type3A_104 : vector<1024x128xi32> to vector<1024x128x1xi32>
    %gather3A_108 = vector.shape_cast %reshape3A_107 : vector<1024x128x1xi32> to vector<1024x128xi32>
    %gather3A_109 = tpu.dynamic_gather %broadcast_in_dim3A_2[%gather3A_108] in [1] : vector<1024x128xf32>, vector<1024x128xi32> -> vector<1024x128xf32>
    %reshape3A_110 = vector.shape_cast %convert_element_type3A_104 : vector<1024x128xi32> to vector<1024x128x1xi32>
    %gather3A_111 = vector.shape_cast %reshape3A_110 : vector<1024x128x1xi32> to vector<1024x128xi32>
    %gather3A_112 = tpu.dynamic_gather %broadcast_in_dim3A_7[%gather3A_111] in [1] : vector<1024x128xf32>, vector<1024x128xi32> -> vector<1024x128xf32>
    %sub3A_113 = arith.subf %gather3A_112, %gather3A_109 : vector<1024x128xf32>
    %mul3A_114 = arith.mulf %sub3A_106, %sub3A_113 : vector<1024x128xf32>
    %add3A_115 = arith.addf %gather3A_109, %mul3A_114 : vector<1024x128xf32>
    %swap3A_116 = arith.constant 0 : index
    %swap3A_117 = arith.constant 384 : index
    %swap3A_118 = vector.load %arg4[%swap3A_116, %swap3A_117] : memref<1024x1024xf32, #tpu.memory_space<vmem>>, vector<1024x128xf32>
    tpu.vector_store %arg4[%swap3A_116, %swap3A_117], %add3A_115 {strides = array<i32>} : memref<1024x1024xf32, #tpu.memory_space<vmem>>, vector<1024x128xf32>,
    %get3A_119 = arith.constant 0 : index
    %get3A_120 = arith.constant 512 : index
    %get3A_121 = vector.load %arg3[%get3A_119, %get3A_120] : memref<1024x1024xf32, #tpu.memory_space<vmem>>, vector<1024x128xf32>
    %mul3A_122 = arith.constant 3.100000e+01 : f32
    %mul3A_123 = vector.broadcast %mul3A_122 : f32 to vector<1024x128xf32>
    %mul3A_124 = arith.mulf %get3A_121, %mul3A_123 : vector<1024x128xf32>
    %add3A_125 = arith.constant 3.100000e+01 : f32
    %add3A_126 = vector.broadcast %add3A_125 : f32 to vector<1024x128xf32>
    %add3A_127 = arith.addf %mul3A_124, %add3A_126 : vector<1024x128xf32>
    %max3A_128 = arith.constant 0.000000e+00 : f32
    %max3A_129 = vector.broadcast %max3A_128 : f32 to vector<1024x128xf32>
    %max3A_130 = arith.maximumf %add3A_127, %max3A_129 : vector<1024x128xf32>
    %min3A_131 = arith.constant 6.200000e+01 : f32
    %min3A_132 = vector.broadcast %min3A_131 : f32 to vector<1024x128xf32>
    %min3A_133 = arith.minimumf %max3A_130, %min3A_132 : vector<1024x128xf32>
    %convert_element_type3A_134 = arith.fptosi %min3A_133 : vector<1024x128xf32> to vector<1024x128xi32>
    %convert_element_type3A_135 = arith.sitofp %convert_element_type3A_134 : vector<1024x128xi32> to vector<1024x128xf32>
    %sub3A_136 = arith.subf %min3A_133, %convert_element_type3A_135 : vector<1024x128xf32>
    %reshape3A_137 = vector.shape_cast %convert_element_type3A_134 : vector<1024x128xi32> to vector<1024x128x1xi32>
    %gather3A_138 = vector.shape_cast %reshape3A_137 : vector<1024x128x1xi32> to vector<1024x128xi32>
    %gather3A_139 = tpu.dynamic_gather %broadcast_in_dim3A_2[%gather3A_138] in [1] : vector<1024x128xf32>, vector<1024x128xi32> -> vector<1024x128xf32>
    %reshape3A_140 = vector.shape_cast %convert_element_type3A_134 : vector<1024x128xi32> to vector<1024x128x1xi32>
    %gather3A_141 = vector.shape_cast %reshape3A_140 : vector<1024x128x1xi32> to vector<1024x128xi32>
    %gather3A_142 = tpu.dynamic_gather %broadcast_in_dim3A_7[%gather3A_141] in [1] : vector<1024x128xf32>, vector<1024x128xi32> -> vector<1024x128xf32>
    %sub3A_143 = arith.subf %gather3A_142, %gather3A_139 : vector<1024x128xf32>
    %mul3A_144 = arith.mulf %sub3A_136, %sub3A_143 : vector<1024x128xf32>
    %add3A_145 = arith.addf %gather3A_139, %mul3A_144 : vector<1024x128xf32>
    %swap3A_146 = arith.constant 0 : index
    %swap3A_147 = arith.constant 512 : index
    %swap3A_148 = vector.load %arg4[%swap3A_146, %swap3A_147] : memref<1024x1024xf32, #tpu.memory_space<vmem>>, vector<1024x128xf32>
    tpu.vector_store %arg4[%swap3A_146, %swap3A_147], %add3A_145 {strides = array<i32>} : memref<1024x1024xf32, #tpu.memory_space<vmem>>, vector<1024x128xf32>,
    %get3A_149 = arith.constant 0 : index
    %get3A_150 = arith.constant 640 : index
    %get3A_151 = vector.load %arg3[%get3A_149, %get3A_150] : memref<1024x1024xf32, #tpu.memory_space<vmem>>, vector<1024x128xf32>
    %mul3A_152 = arith.constant 3.100000e+01 : f32
    %mul3A_153 = vector.broadcast %mul3A_152 : f32 to vector<1024x128xf32>
    %mul3A_154 = arith.mulf %get3A_151, %mul3A_153 : vector<1024x128xf32>
    %add3A_155 = arith.constant 3.100000e+01 : f32
    %add3A_156 = vector.broadcast %add3A_155 : f32 to vector<1024x128xf32>
    %add3A_157 = arith.addf %mul3A_154, %add3A_156 : vector<1024x128xf32>
    %max3A_158 = arith.constant 0.000000e+00 : f32
    %max3A_159 = vector.broadcast %max3A_158 : f32 to vector<1024x128xf32>
    %max3A_160 = arith.maximumf %add3A_157, %max3A_159 : vector<1024x128xf32>
    %min3A_161 = arith.constant 6.200000e+01 : f32
    %min3A_162 = vector.broadcast %min3A_161 : f32 to vector<1024x128xf32>
    %min3A_163 = arith.minimumf %max3A_160, %min3A_162 : vector<1024x128xf32>
    %convert_element_type3A_164 = arith.fptosi %min3A_163 : vector<1024x128xf32> to vector<1024x128xi32>
    %convert_element_type3A_165 = arith.sitofp %convert_element_type3A_164 : vector<1024x128xi32> to vector<1024x128xf32>
    %sub3A_166 = arith.subf %min3A_163, %convert_element_type3A_165 : vector<1024x128xf32>
    %reshape3A_167 = vector.shape_cast %convert_element_type3A_164 : vector<1024x128xi32> to vector<1024x128x1xi32>
    %gather3A_168 = vector.shape_cast %reshape3A_167 : vector<1024x128x1xi32> to vector<1024x128xi32>
    %gather3A_169 = tpu.dynamic_gather %broadcast_in_dim3A_2[%gather3A_168] in [1] : vector<1024x128xf32>, vector<1024x128xi32> -> vector<1024x128xf32>
    %reshape3A_170 = vector.shape_cast %convert_element_type3A_164 : vector<1024x128xi32> to vector<1024x128x1xi32>
    %gather3A_171 = vector.shape_cast %reshape3A_170 : vector<1024x128x1xi32> to vector<1024x128xi32>
    %gather3A_172 = tpu.dynamic_gather %broadcast_in_dim3A_7[%gather3A_171] in [1] : vector<1024x128xf32>, vector<1024x128xi32> -> vector<1024x128xf32>
    %sub3A_173 = arith.subf %gather3A_172, %gather3A_169 : vector<1024x128xf32>
    %mul3A_174 = arith.mulf %sub3A_166, %sub3A_173 : vector<1024x128xf32>
    %add3A_175 = arith.addf %gather3A_169, %mul3A_174 : vector<1024x128xf32>
    %swap3A_176 = arith.constant 0 : index
    %swap3A_177 = arith.constant 640 : index
    %swap3A_178 = vector.load %arg4[%swap3A_176, %swap3A_177] : memref<1024x1024xf32, #tpu.memory_space<vmem>>, vector<1024x128xf32>
    tpu.vector_store %arg4[%swap3A_176, %swap3A_177], %add3A_175 {strides = array<i32>} : memref<1024x1024xf32, #tpu.memory_space<vmem>>, vector<1024x128xf32>,
    %get3A_179 = arith.constant 0 : index
    %get3A_180 = arith.constant 768 : index
    %get3A_181 = vector.load %arg3[%get3A_179, %get3A_180] : memref<1024x1024xf32, #tpu.memory_space<vmem>>, vector<1024x128xf32>
    %mul3A_182 = arith.constant 3.100000e+01 : f32
    %mul3A_183 = vector.broadcast %mul3A_182 : f32 to vector<1024x128xf32>
    %mul3A_184 = arith.mulf %get3A_181, %mul3A_183 : vector<1024x128xf32>
    %add3A_185 = arith.constant 3.100000e+01 : f32
    %add3A_186 = vector.broadcast %add3A_185 : f32 to vector<1024x128xf32>
    %add3A_187 = arith.addf %mul3A_184, %add3A_186 : vector<1024x128xf32>
    %max3A_188 = arith.constant 0.000000e+00 : f32
    %max3A_189 = vector.broadcast %max3A_188 : f32 to vector<1024x128xf32>
    %max3A_190 = arith.maximumf %add3A_187, %max3A_189 : vector<1024x128xf32>
    %min3A_191 = arith.constant 6.200000e+01 : f32
    %min3A_192 = vector.broadcast %min3A_191 : f32 to vector<1024x128xf32>
    %min3A_193 = arith.minimumf %max3A_190, %min3A_192 : vector<1024x128xf32>
    %convert_element_type3A_194 = arith.fptosi %min3A_193 : vector<1024x128xf32> to vector<1024x128xi32>
    %convert_element_type3A_195 = arith.sitofp %convert_element_type3A_194 : vector<1024x128xi32> to vector<1024x128xf32>
    %sub3A_196 = arith.subf %min3A_193, %convert_element_type3A_195 : vector<1024x128xf32>
    %reshape3A_197 = vector.shape_cast %convert_element_type3A_194 : vector<1024x128xi32> to vector<1024x128x1xi32>
    %gather3A_198 = vector.shape_cast %reshape3A_197 : vector<1024x128x1xi32> to vector<1024x128xi32>
    %gather3A_199 = tpu.dynamic_gather %broadcast_in_dim3A_2[%gather3A_198] in [1] : vector<1024x128xf32>, vector<1024x128xi32> -> vector<1024x128xf32>
    %reshape3A_200 = vector.shape_cast %convert_element_type3A_194 : vector<1024x128xi32> to vector<1024x128x1xi32>
    %gather3A_201 = vector.shape_cast %reshape3A_200 : vector<1024x128x1xi32> to vector<1024x128xi32>
    %gather3A_202 = tpu.dynamic_gather %broadcast_in_dim3A_7[%gather3A_201] in [1] : vector<1024x128xf32>, vector<1024x128xi32> -> vector<1024x128xf32>
    %sub3A_203 = arith.subf %gather3A_202, %gather3A_199 : vector<1024x128xf32>
    %mul3A_204 = arith.mulf %sub3A_196, %sub3A_203 : vector<1024x128xf32>
    %add3A_205 = arith.addf %gather3A_199, %mul3A_204 : vector<1024x128xf32>
    %swap3A_206 = arith.constant 0 : index
    %swap3A_207 = arith.constant 768 : index
    %swap3A_208 = vector.load %arg4[%swap3A_206, %swap3A_207] : memref<1024x1024xf32, #tpu.memory_space<vmem>>, vector<1024x128xf32>
    tpu.vector_store %arg4[%swap3A_206, %swap3A_207], %add3A_205 {strides = array<i32>} : memref<1024x1024xf32, #tpu.memory_space<vmem>>, vector<1024x128xf32>,
    %get3A_209 = arith.constant 0 : index
    %get3A_210 = arith.constant 896 : index
    %get3A_211 = vector.load %arg3[%get3A_209, %get3A_210] : memref<1024x1024xf32, #tpu.memory_space<vmem>>, vector<1024x128xf32>
    %mul3A_212 = arith.constant 3.100000e+01 : f32
    %mul3A_213 = vector.broadcast %mul3A_212 : f32 to vector<1024x128xf32>
    %mul3A_214 = arith.mulf %get3A_211, %mul3A_213 : vector<1024x128xf32>
    %add3A_215 = arith.constant 3.100000e+01 : f32
    %add3A_216 = vector.broadcast %add3A_215 : f32 to vector<1024x128xf32>
    %add3A_217 = arith.addf %mul3A_214, %add3A_216 : vector<1024x128xf32>
    %max3A_218 = arith.constant 0.000000e+00 : f32
    %max3A_219 = vector.broadcast %max3A_218 : f32 to vector<1024x128xf32>
    %max3A_220 = arith.maximumf %add3A_217, %max3A_219 : vector<1024x128xf32>
    %min3A_221 = arith.constant 6.200000e+01 : f32
    %min3A_222 = vector.broadcast %min3A_221 : f32 to vector<1024x128xf32>
    %min3A_223 = arith.minimumf %max3A_220, %min3A_222 : vector<1024x128xf32>
    %convert_element_type3A_224 = arith.fptosi %min3A_223 : vector<1024x128xf32> to vector<1024x128xi32>
    %convert_element_type3A_225 = arith.sitofp %convert_element_type3A_224 : vector<1024x128xi32> to vector<1024x128xf32>
    %sub3A_226 = arith.subf %min3A_223, %convert_element_type3A_225 : vector<1024x128xf32>
    %reshape3A_227 = vector.shape_cast %convert_element_type3A_224 : vector<1024x128xi32> to vector<1024x128x1xi32>
    %gather3A_228 = vector.shape_cast %reshape3A_227 : vector<1024x128x1xi32> to vector<1024x128xi32>
    %gather3A_229 = tpu.dynamic_gather %broadcast_in_dim3A_2[%gather3A_228] in [1] : vector<1024x128xf32>, vector<1024x128xi32> -> vector<1024x128xf32>
    %reshape3A_230 = vector.shape_cast %convert_element_type3A_224 : vector<1024x128xi32> to vector<1024x128x1xi32>
    %gather3A_231 = vector.shape_cast %reshape3A_230 : vector<1024x128x1xi32> to vector<1024x128xi32>
    %gather3A_232 = tpu.dynamic_gather %broadcast_in_dim3A_7[%gather3A_231] in [1] : vector<1024x128xf32>, vector<1024x128xi32> -> vector<1024x128xf32>
    %sub3A_233 = arith.subf %gather3A_232, %gather3A_229 : vector<1024x128xf32>
    %mul3A_234 = arith.mulf %sub3A_226, %sub3A_233 : vector<1024x128xf32>
    %add3A_235 = arith.addf %gather3A_229, %mul3A_234 : vector<1024x128xf32>
    %swap3A_236 = arith.constant 0 : index
    %swap3A_237 = arith.constant 896 : index
    %swap3A_238 = vector.load %arg4[%swap3A_236, %swap3A_237] : memref<1024x1024xf32, #tpu.memory_space<vmem>>, vector<1024x128xf32>
    tpu.vector_store %arg4[%swap3A_236, %swap3A_237], %add3A_235 {strides = array<i32>} : memref<1024x1024xf32, #tpu.memory_space<vmem>>, vector<1024x128xf32>,
    return
  }
  func.func @transform_0(%arg0: i32) -> (i32, i32) {
    %c0_i32 = arith.constant 0 : i32
    %c0_i32_0 = arith.constant 0 : i32
    %c0_i32_1 = arith.constant 0 : i32
    return %c0_i32, %c0_i32_0 : i32, i32
  }
  func.func @transform_1(%arg0: i32) -> (i32, i32) {
    %c0_i32 = arith.constant 0 : i32
    %c0_i32_0 = arith.constant 0 : i32
    %c0_i32_1 = arith.constant 0 : i32
    return %c0_i32, %c0_i32_0 : i32, i32
  }
  func.func @transform_2(%arg0: i32) -> (i32, i32) {
    %add3A = arith.constant 16 : i32
    %add3A_0 = arith.addi %arg0, %add3A : i32
    %c0_i32 = arith.constant 0 : i32
    %c0_i32_1 = arith.constant 0 : i32
    return %add3A_0, %c0_i32 : i32, i32
  }
  func.func @transform_3(%arg0: i32) -> (i32, i32) {
    %add3A = arith.constant 16 : i32
    %add3A_0 = arith.addi %arg0, %add3A : i32
    %c0_i32 = arith.constant 0 : i32
    %c0_i32_1 = arith.constant 0 : i32
    return %add3A_0, %c0_i32 : i32, i32
  }
}

</mosaic_0001>

<sc_bundles>
// kernel: kernel.4.cloned.1.call-start
scs
__scs_entry_jumppad:
0x0: {  	(pc) =	sbr.rel $0x88, $3  }
0x1: {  	(tag) =	ssettag $0x0;
	lr =	simm.s32 $0x1  }
0x2: {  	[smem:$0x3F9F] =	sst lr;
	_ =	strace $0xD0000000  }
0x3: {  	_ = 	snop  }
0x4: {  	_ = 	snop  }
0x5: {  	_ = 	snop  }
0x6: {  	_ = 	snop  }
0x7: {  	_ = 	snop  }
__scs_overlays_trampoline_lowered:
0x8: {  	[smem:$0x3FAE] =	sst s0  }
0x9: {  	[smem:$0x3FAF] =	sst s1  }
0xa: {  	[smem:$0x3FB0] =	sst s2  }
0xb: {  	[smem:$0x3FB1] =	sst s3  }
0xc: {  	[smem:$0x3FB2] =	sst s4  }
0xd: {  	[smem:$0x3FB3] =	sst s5  }
0xe: {  	[smem:$0x3FB4] =	sst s6  }
0xf: {  	[smem:$0x3FB5] =	sst s7  }
0x10: {  	[smem:$0x3FB6] =	sst s8  }
0x11: {  	[smem:$0x3FB7] =	sst s9;
	s0 =	simm.s32 @!p0 $0x0  }
0x12: {  	s1 =	sld [smem:$0x3F9D];
	s0 =	simm.s32 @p0 $0x1  }
0x13: {  	[smem:$0x3FB8] =	sst s0;
	s0 =	simm.s32 @!p1 $0x0  }
0x14: {  	s2 =	sld [smem:$0x3F9C];
	s0 =	simm.s32 @p1 $0x1  }
0x15: {  	[smem:$0x3FB9] =	sst s0;
	s0 =	simm.s32 @!p2 $0x0  }
0x16: {  	s3 =	sld [smem:$0x3FDB];
	s0 =	simm.s32 @p2 $0x1  }
0x17: {  	s4 =	simm.s32 $0x1BF5;
	[smem:$0x3FBB] =	sst s0  }
0x18: {  	s0 =	sld [smem:$0x3F9E];
	_ =	swait.ge [sflag:s4], $0x0  }
0x19: {  	s7 =	sld [smem:$0x3F9F]  }
0x1a: {  	s8 =	sadd.s32 $0xFFFFE003, lr  }
0x1b: {  	s9 =	sadd.s32 $0xFFFFFEF7, lr;
	s5 =	simm.s32 $0xFFFFFFFF;
	p2 =	slt.u32 s8, $0xFFFFF086  }
0x1c: {  	p1 =	slt.u32 s9, $0xF7A;
	s5 =	simm.s32 @!p2 $0x0  }
0x1d: {  	s5 =	simm.s32 @p1 $0x1;
	p0 =	seq.s32 s7, s2  }
0x1e: {  	s7 =	smul.u32 @!p0 $0xF7A, s2;
	p2 =	seq.s32 @!p0 s5, $0x0  }
0x1f: {  	s9 =	smul.u32 $0xF7A, s1;
	s8 =	simm.s32 @!p0 $0x1BF5;
	p2 =	por !p2, p0  }
0x20: {  	[sflag:s8] =	ssyncset.s32 @!p0 $0xFFFFF086;
	s6 =	sadd.s32 @!p0 s3, s7;
	s7 =	simm.s32 @!p0 $0x108  }
0x21: {  	s3 =	sadd.s32 s3, s9;
	s6 =	sadd.s32 @!p0 $0x88, s6;
	s7 =	simm.s32 @p2 $0x1082  }
0x22: {  	[simem:s7], [sflag:s8] =	dma.local @!p0 [hbm:s6], $0xF7A  }
0x23: {  	s9 =	sor.u32 $0xD0000000, s2;
	s6 =	simm.s32 $0x108;
	_ =	swait.ge @!p0 [sflag:s8], $0x0  }
0x24: {  	s3 =	sadd.s32 $0x88, s3;
	s6 =	simm.s32 @!p1 $0x1082;
	[sflag:s4] =	ssyncset.s32 $0xFFFFF086  }
0x25: {  	[simem:s6], [sflag:s4] =	dma.local [hbm:s3], $0xF7A  }
0x26: {  	[smem:$0x3F9F] =	sst s1;
	(tag) =	ssettag s2;
	_ =	strace s9  }
0x27: {  	s1 =	sld [smem:$0x3FAF]  }
0x28: {  	s2 =	sld [smem:$0x3FB0]  }
0x29: {  	s4 =	sld [smem:$0x3FB2]  }
0x2a: {  	p0 =	seq.s32 s5, $0x0;
	s5 =	sld [smem:$0x3FB3]  }
0x2b: {  	s6 =	sld [smem:$0x3FB4]  }
0x2c: {  	s7 =	sld [smem:$0x3FB5]  }
0x2d: {  	s3 =	simm.s32 $0x108;
	s8 =	sld [smem:$0x3FB6]  }
0x2e: {  	s3 =	simm.s32 @!p0 $0x1082;
	s9 =	sld [smem:$0x3FB7]  }
0x2f: {  	lr =	sadd.s32 s0, s3;
	s0 =	sld [smem:$0x3FAE]  }
0x30: {  	s3 =	sld [smem:$0x3FB1]  }
0x31: {  	[smem:$0x3FBA] =	sst s10  }
0x32: {  	s10 =	sld [smem:$0x3FB8];
	_ =	sdelay $0x3  }
0x33: {  	p0 =	seq.s32 s10, $0x1;
	s10 =	sld [smem:$0x3FBA];
	_ =	sdelay $0x3  }
0x34: {  	[smem:$0x3FBA] =	sst s10  }
0x35: {  	s10 =	sld [smem:$0x3FB9];
	_ =	sdelay $0x3  }
0x36: {  	p1 =	seq.s32 s10, $0x1;
	s10 =	sld [smem:$0x3FBA];
	_ =	sdelay $0x3  }
0x37: {  	[smem:$0x3FBA] =	sst s10  }
0x38: {  	s10 =	sld [smem:$0x3FBB]  }
0x39: {  	_ = 	snop;
	(pc) =	sbr.ind lr, $3  }
0x3a: {  	_ = 	snop  }
0x3b: {  	_ = 	snop  }
0x3c: {  	p2 =	seq.s32 s10, $0x1;
	s10 =	sld [smem:$0x3FBA]  }
0x3d: {  	_ =	shalt  }
0x3e: {  	_ =	shalt  }
0x3f: {  	_ =	shalt  }
0x40: {  	_ =	shalt  }
0x41: {  	_ =	shalt  }
0x42: {  	_ =	shalt  }
0x43: {  	_ =	shalt  }
0x44: {  	_ =	shalt  }
0x45: {  	_ =	shalt  }
0x46: {  	_ =	shalt  }
0x47: {  	_ =	shalt  }
0x48: {  	_ =	shalt  }
0x49: {  	_ =	shalt  }
0x4a: {  	_ =	shalt  }
0x4b: {  	_ =	shalt  }
0x4c: {  	_ =	shalt  }
0x4d: {  	_ =	shalt  }
0x4e: {  	_ =	shalt  }
0x4f: {  	_ =	shalt  }
0x50: {  	_ =	shalt  }
0x51: {  	_ =	shalt  }
0x52: {  	_ =	shalt  }
0x53: {  	_ =	shalt  }
0x54: {  	_ =	shalt  }
0x55: {  	_ =	shalt  }
0x56: {  	_ =	shalt  }
0x57: {  	_ =	shalt  }
0x58: {  	_ =	shalt  }
0x59: {  	_ =	shalt  }
0x5a: {  	_ =	shalt  }
0x5b: {  	_ =	shalt  }
0x5c: {  	_ =	shalt  }
0x5d: {  	_ =	shalt  }
0x5e: {  	_ =	shalt  }
0x5f: {  	_ =	shalt  }
0x60: {  	_ =	shalt  }
0x61: {  	_ =	shalt  }
0x62: {  	_ =	shalt  }
0x63: {  	_ =	shalt  }
0x64: {  	_ =	shalt  }
0x65: {  	_ =	shalt  }
0x66: {  	_ =	shalt  }
0x67: {  	_ =	shalt  }
0x68: {  	_ =	shalt  }
0x69: {  	_ =	shalt  }
0x6a: {  	_ =	shalt  }
0x6b: {  	_ =	shalt  }
0x6c: {  	_ =	shalt  }
0x6d: {  	_ =	shalt  }
0x6e: {  	_ =	shalt  }
0x6f: {  	_ =	shalt  }
0x70: {  	_ =	shalt  }
0x71: {  	_ =	shalt  }
0x72: {  	_ =	shalt  }
0x73: {  	_ =	shalt  }
0x74: {  	_ =	shalt  }
0x75: {  	_ =	shalt  }
0x76: {  	_ =	shalt  }
0x77: {  	_ =	shalt  }
0x78: {  	_ =	shalt  }
0x79: {  	_ =	shalt  }
0x7a: {  	_ =	shalt  }
0x7b: {  	_ =	shalt  }
0x7c: {  	_ =	shalt  }
0x7d: {  	_ =	shalt  }
0x7e: {  	_ =	shalt  }
0x7f: {  	_ =	shalt  }
0x80: {  	_ =	shalt  }
0x81: {  	_ =	shalt  }
0x82: {  	_ =	shalt  }
0x83: {  	_ =	shalt  }
0x84: {  	_ =	shalt  }
0x85: {  	_ =	shalt  }
0x86: {  	_ =	shalt  }
0x87: {  	_ =	shalt  }
.Lfunc_end0:
.L_simem_size_0:
called_computation_lowered:
.L_overlay_start_0:
0x88: {  	s2 =	sld [smem:$0x3FD9]  }
0x89: {  	s3 =	sld [smem:$0x3FFE];
	_ =	sdelay $0x1  }
0x8a: {  	s1 =	srdreg.scid  }
0x8b: {  	s0 =	sand.u32 $0x1, s1  }
0x8c: {  	s17 =	sshll.u32 s0, $0xA;
	s2 =	sadd.s32 s3, s2  }
0x8d: {  	s2 =	sadd.s32 s2, s17  }
0x8e: {  	[smem:$0x3FC6] =	sst s2  }
0x8f: {  	_ = 	snop  }
0x90: {  	s2 =	sld [smem:$0x3FC9];
	(tm) =	ssettm $0x1  }
0x91: {  	s18 =	sld [smem:$0x3FFB];
	_ =	sdelay $0x3  }
0x92: {  	_ =	strace s18  }
0x93: {  	s3 =	sld [smem:$0x3FFC];
	_ =	sdelay $0x3  }
0x94: {  	_ =	strace s3  }
0x95: {  	s3 =	sld [smem:$0x3FFD];
	_ =	sdelay $0x3  }
0x96: {  	_ =	strace s3  }
0x97: {  	_ =	strace $0x8FFFFFFF  }
0x98: {  	s19 =	sld [smem:$0x3FDB];
	_ =	sdelay $0x1  }
0x99: {  	s4 =	simm.s32 $_scs_section_size  }
0x9a: {  	s5 =	simm.s32 $_size__tile_overlayer_lowered;
	s6 =	simm.s32 $_tile_overlayer_lowered  }
0x9b: {  	s22 =	simm.s32 $0x1BFF;
	s21 =	sshll.u32 s6, $0x1;
	s3 =	sadd.s32 s4, s19  }
0x9c: {  	s7 =	simm.s32 $0x0;
	s20 =	sshll.u32 s5, $0x1;
	s5 =	sadd.s32 s21, s3  }
0x9d: {  	[timem:s7], [sflag:s22] =	dma.local [hbm:s5], s20  }
0x9e: {  	_ =	swait.ge [sflag:s22], s20  }
0x9f: {  	s4 =	ssub.s32 $0x0, s20;
	[sflag:s22] =	ssyncset.done $0x0  }
0xa0: {  	[sflag:s22] =	ssyncadd.s32 s4;
	_ =	sdelay $0x1  }
0xa1: {  	s23 =	simm.s32 $0x1B8B  }
0xa2: {  	_ =	swait.ge [sflag:s23], $0x1  }
0xa3: {  	[sflag:s23] =	ssyncset.done $0x0  }
0xa4: {  	s25 =	simm.s32 $0x1B8E;
	s24 =	sld [smem:$0x3FFE];
	[sflag:s23] =	ssyncadd.s32 $0xFFFFFFFF  }
0xa5: {  	s26 =	simm.s32 $execute0_lowered;
	[smem:$0x3FD2] =	sst s25  }
0xa6: {  	s5 =	sshll.u32 s26, $0x1;
	_ =	strace $0x80000046;
	[dreg:$0x1] =	wrdreg $0xFFFFFFFF  }
0xa7: {  	s28 =	simm.s32 $_size_execute0_lowered;
	s3 =	sadd.s32 s3, s5;
	[dreg:$0x0] =	wrdreg $0x0  }
0xa8: {  	s5 =	sshll.u32 s28, $0x1;
	[dreg:$0x2] =	wrdreg s3  }
0xa9: {  	[dreg:$0x3] =	wrdreg s5  }
0xaa: {  	[dreg:$0x4] =	wrdreg $0xC0  }
0xab: {  	_ =	task [dreg:s7], $0x5FFFF  }
0xac: {  	[dreg:$0x1] =	wrdreg $0xFFFFFFFF  }
0xad: {  	[dreg:$0x0] =	wrdreg $0x60  }
0xae: {  	[dreg:$0x2] =	wrdreg s2  }
0xaf: {  	[dreg:$0x3] =	wrdreg s24  }
0xb0: {  	[dreg:$0x4] =	wrdreg $0x9  }
0xb1: {  	_ =	task.clear_ibuf [dreg:s7], $0x5FFFF;
	_ =	strace $0x90000046  }
0xb2: {  	s29 =	simm.s32 $0x9;
	_ =	strace $0x80000048  }
0xb3: {  	_ =	swait.ge [sflag:s29], $0x1  }
0xb4: {  	[sflag:s29] =	ssyncadd.s32 $0xFFFFFFFF  }
0xb5: {  	_ =	strace $0x90000048  }
0xb6: {  	_ =	sfence  }
0xb7: {  	s30 =	sld [smem:$0x0];
	_ =	sdelay $0x2  }
0xb8: {  	s31 =	sshll.u32 s1, $0xD;
	s1 =	sshrl.u32 s1, $0x2  }
0xb9: {  	s3 =	sand.u32 $0x4000, s31;
	s1 =	sadd.s32 s1, s30  }
0xba: {  	s0 =	sor.u32 s3, s0;
	s1 =	sshll.u32 s1, $0x11  }
0xbb: {  	s0 =	sor.u32 s1, s0  }
0xbc: {  	s0 =	sadd.s32 $0x8F2B, s0  }
0xbd: {  	[sflag:s0] =	ssyncadd.remote.s32 $0x1  }
0xbe: {  	_ =	sfence.sel $0xFFFF  }
0xbf: {  	[dreg:$0x0] =	wrdreg $0xFFFFFFFF;
	(pc) =	sbr.abs _section_cstart, $3  }
0xc0: {  	[dreg:$0x1] =	wrdreg $0xFFFFFFFF  }
0xc1: {  	_ =	task.clear_ibuf [dreg:s7], $0x2FFFF;
	_ =	strace $0x9FFFFFFF  }
0xc2: {  	(tm) =	ssettm $0x7FFFFFFF  }
0xc3: {  	_ =	shalt  }
tec
execute0_lowered:
.L_overlay_start_1:
0x0: {  	(tag) =	ssettag $0x1  }
0x1: {  	s1 =	rddreg [dreg:$0x0]  }
0x2: {  	s0 =	rddreg [dreg:$0x1];
	s2 =	simm.s32 $0x0;
	s3 =	srdreg.scid  }
0x3: {  	s5 =	stileid.u32;
	s12 =	simm.s32 $0x5;
	s13 =	simm.s32 $0x80  }
0x4: {  	s14 =	simm.s32 $0x100;
	s15 =	simm.s32 $0x4100;
	s16 =	simm.s32 $0x1  }
0x5: {  	s17 =	simm.s32 $0x8100;
	s18 =	simm.s32 $0x2;
	s19 =	simm.s32 $0x4  }
0x6: {  	s20 =	simm.s32 $0xC100;
	s21 =	simm.s32 $0x3;
	s22 =	simm.s32 $0x0  }
0x7: {  	[smem:$0x7FF] =	sst s2;
	s4 =	sadd.s32 $0xE00, s0;
	s3 =	sand.u32 $0x1, s3  }
0x8: {  	s6 =	sshll.u32 s5, $0x11;
	s5 =	sadd.s32 $0x1000, s0;
	s0 =	sadd.s32 $0xE08, s0  }
0x9: {  	_ =	strace $0x80000047;
	s29 =	ssub.s32 $0x2, s3;
	s3 =	sshll.u32 s3, $0x10  }
0xa: {  	[dreg:$0x3] =	wrdreg s4;
	s7 =	sshrl.u32 s29, $0x1;
	s3 =	sor.u32 s3, s6  }
0xb: {  	[dreg:$0x4] =	wrdreg s0;
	s4 =	ssub.s32 s29, s7;
	s30 =	sadd.s32 s1, s3  }
0xc: {  	s8 =	sor.u32 $0x800, s3;
	[dreg:$0x5] =	wrdreg s30;
	s31 =	smax.u32 s4, $0x1  }
0xd: {  	s9 =	sadd.s32 s5, s3;
	s10 =	sadd.s32 $0x1000, s30;
	[dreg:$0x6] =	wrdreg s31  }
.LBB2_1:
0xe: {  	s0 =	rddreg [dreg:$0x3]  }
0xf: {  	[tilespmem:s2], [sflag:$0x5] =	stream.linear.gather [hbm4b:s0+s2], $0x40, $0x38;
	[tilespmem:$0x10100] =	vst v63  }
0x10: {  	_ =	swait.ge [sflag:s12], $0x40  }
0x11: {  	[sflag:s12] =	ssyncset.done $0x0  }
0x12: {  	s30 =	rddreg [dreg:$0x4];
	[sflag:s12] =	ssyncadd.s32 $0xFFFFFFC0  }
0x13: {  	[tilespmem:s13], [sflag:$0x5] =	stream.linear.gather [hbm4b:s30+s2], $0x40, $0x38;
	[tilespmem:$0x10100] =	vst v63  }
0x14: {  	_ =	swait.ge [sflag:s12], $0x40  }
0x15: {  	[sflag:s12] =	ssyncset.done $0x0  }
0x16: {  	s23 =	simm.s32 $0x0;
	s31 =	rddreg [dreg:$0x5];
	[sflag:s12] =	ssyncadd.s32 $0xFFFFFFC0  }
0x17: {  	[tilespmem:s14], [sflag:$0x1] =	stream.linear.gather [hbm4b:s31+s2], $0x4000, $0x38;
	[tilespmem:$0x10100] =	vst v63  }
.LBB2_2:
0x18: {  	s25 =	sshll.u32 s23, $0xC  }
0x19: {  	s24 =	sadd.s32 s8, s25  }
0x1a: {  	s0 =	sadd.s32 s1, s24  }
0x1b: {  	[tilespmem:s15], [sflag:$0x2] =	stream.linear.gather [hbm4b:s0+s2], $0x4000, $0x38;
	[tilespmem:$0x10100] =	vst v63  }
0x1c: {  	_ =	swait.ge [sflag:s16], $0x4000  }
0x1d: {  	p0 =	seq.s32 s23, $0x0;
	[sflag:s16] =	ssyncset.done $0x0  }
0x1e: {  	s3 =	simm.s32 $0x0;
	s0 =	simm.s32 @!p0 $0x3;
	[sflag:s16] =	ssyncadd.s32 $0xFFFFC000  }
0x1f: {  	s4 =	sand.u32 $0x2000, s3;
	s6 =	sand.u32 $0x1800, s3;
	_ =	swait.ge @!p0 [sflag:s0], $0x4000  }
0x20: {  	s3 =	sand.u32 $0x380, s3;
	s4 =	sor.u32 s6, s4;
	[sflag:s0] =	ssyncset.done @!p0 $0x0  }
0x21: {  	s26 =	sor.u32 s3, s4;
	[sflag:s0] =	ssyncadd.s32 @!p0 $0xFFFFC000  }
0x22: {  	v0 =	vld [tilespmem:s26+$0x570]  }
0x23: {  	v1 =	vld [tilespmem:s26+$0x100]  }
0x24: {  	v2 =	vld [tilespmem:s26+$0x110]  }
0x25: {  	v3 =	vld [tilespmem:s26+$0x120]  }
0x26: {  	v4 =	vld [tilespmem:s26+$0x130]  }
0x27: {  	v5 =	vld [tilespmem:s26+$0x140]  }
0x28: {  	v6 =	vld [tilespmem:s26+$0x150]  }
0x29: {  	v8 =	vld [tilespmem:s26+$0x170]  }
0x2a: {  	v9 =	vld [tilespmem:s26+$0x500]  }
0x2b: {  	v10 =	vld [tilespmem:s26+$0x510]  }
0x2c: {  	v11 =	vld [tilespmem:s26+$0x520];
	v0 =	vmul.f32 $3.100000000e+01, v0;
	v1 =	vmul.f32 $3.100000000e+01, v1  }
0x2d: {  	v13 =	vld [tilespmem:s26+$0x530];
	v2 =	vmul.f32 $3.100000000e+01, v2;
	v3 =	vmul.f32 $3.100000000e+01, v3  }
0x2e: {  	v14 =	vld [tilespmem:s26+$0x540];
	v4 =	vmul.f32 $3.100000000e+01, v4;
	v5 =	vmul.f32 $3.100000000e+01, v5  }
0x2f: {  	v15 =	vld [tilespmem:s26+$0x550];
	v6 =	vmul.f32 $3.100000000e+01, v6;
	v8 =	vmul.f32 $3.100000000e+01, v8  }
0x30: {  	v16 =	vld [tilespmem:s26+$0x560];
	v9 =	vmul.f32 $3.100000000e+01, v9;
	v10 =	vmul.f32 $3.100000000e+01, v10;
	v0 =	vadd.f32 $3.100000000e+01, v0  }
0x31: {  	v7 =	vld [tilespmem:s26+$0x160];
	v11 =	vmul.f32 $3.100000000e+01, v11;
	v1 =	vadd.f32 $3.100000000e+01, v1;
	v2 =	vadd.f32 $3.100000000e+01, v2  }
0x32: {  	v13 =	vmul.f32 $3.100000000e+01, v13;
	v4 =	vadd.f32 $3.100000000e+01, v4;
	v5 =	vadd.f32 $3.100000000e+01, v5  }
0x33: {  	v14 =	vmul.f32 $3.100000000e+01, v14;
	v6 =	vadd.f32 $3.100000000e+01, v6;
	v8 =	vadd.f32 $3.100000000e+01, v8  }
0x34: {  	v15 =	vmul.f32 $3.100000000e+01, v15;
	v9 =	vadd.f32 $3.100000000e+01, v9;
	v10 =	vadd.f32 $3.100000000e+01, v10  }
0x35: {  	v16 =	vmul.f32 $3.100000000e+01, v16;
	v11 =	vadd.f32 $3.100000000e+01, v11;
	v13 =	vadd.f32 $3.100000000e+01, v13  }
0x36: {  	v7 =	vmul.f32 $3.100000000e+01, v7;
	v14 =	vadd.f32 $3.100000000e+01, v14;
	v15 =	vadd.f32 $3.100000000e+01, v15  }
0x37: {  	v16 =	vadd.f32 $3.100000000e+01, v16;
	v0 =	vmax.f32 v0, $0.0e+00;
	v2 =	vmax.f32 v2, $0.0e+00  }
0x38: {  	v4 =	vmax.f32 v4, $0.0e+00;
	v5 =	vmax.f32 v5, $0.0e+00;
	v6 =	vmax.f32 v6, $0.0e+00  }
0x39: {  	v8 =	vmax.f32 v8, $0.0e+00;
	v9 =	vmax.f32 v9, $0.0e+00;
	v10 =	vmax.f32 v10, $0.0e+00  }
0x3a: {  	v11 =	vmax.f32 v11, $0.0e+00;
	v13 =	vmax.f32 v13, $0.0e+00;
	v14 =	vmax.f32 v14, $0.0e+00  }
0x3b: {  	v15 =	vmax.f32 v15, $0.0e+00;
	v16 =	vmax.f32 v16, $0.0e+00;
	v0 =	vmin.f32 v0, $6.200000000e+01  }
0x3c: {  	v2 =	vmin.f32 v2, $6.200000000e+01;
	v4 =	vmin.f32 v4, $6.200000000e+01;
	v5 =	vmin.f32 v5, $6.200000000e+01  }
0x3d: {  	v6 =	vmin.f32 v6, $6.200000000e+01;
	v8 =	vmin.f32 v8, $6.200000000e+01;
	v19 =	vmin.f32 v9, $6.200000000e+01  }
0x3e: {  	v20 =	vmin.f32 v10, $6.200000000e+01;
	v12 =	vtrunc.f32 v0;
	v9 =	vtrunc.f32 v2  }
0x3f: {  	v22 =	vmin.f32 v11, $6.200000000e+01;
	v10 =	vtrunc.f32 v4;
	v12 =	vcvt.f32.s32 v12  }
0x40: {  	v24 =	vmin.f32 v13, $6.200000000e+01;
	v21 =	vtrunc.f32 v5;
	v11 =	vtrunc.f32 v6  }
0x41: {  	v26 =	vmin.f32 v14, $6.200000000e+01;
	v13 =	vtrunc.f32 v8;
	v25 =	vtrunc.f32 v19  }
0x42: {  	v28 =	vmin.f32 v15, $6.200000000e+01;
	v14 =	vtrunc.f32 v20;
	v15 =	vtrunc.f32 v22  }
0x43: {  	v30 =	vmin.f32 v16, $6.200000000e+01;
	v29 =	vtrunc.f32 v24;
	v16 =	vtrunc.f32 v26  }
0x44: {  	v3 =	vadd.f32 $3.100000000e+01, v3;
	v32 =	vtrunc.f32 v28;
	v33 =	vtrunc.f32 v30  }
0x45: {  	v7 =	vadd.f32 $3.100000000e+01, v7;
	v31 =	vcvt.f32.s32 v9;
	v35 =	vcvt.f32.s32 v10;
	v17 =	vld.idx.msk [tilespmem:v12+s2+$0x0], $0xffff  }
0x46: {  	v1 =	vmax.f32 v1, $0.0e+00;
	v21 =	vcvt.f32.s32 v21;
	v36 =	vcvt.f32.s32 v11;
	v18 =	vld.idx.msk [tilespmem:v12+s13+$0x0], $0xffff  }
0x47: {  	v3 =	vmax.f32 v3, $0.0e+00;
	v9 =	vcvt.f32.s32 v25;
	v10 =	vcvt.f32.s32 v14  }
0x48: {  	v7 =	vmax.f32 v7, $0.0e+00;
	v11 =	vcvt.f32.s32 v15;
	v12 =	vcvt.s32.f32 v12  }
0x49: {  	v1 =	vmin.f32 v1, $6.200000000e+01;
	v49 =	vcvt.f32.s32 v32;
	v50 =	vcvt.f32.s32 v33  }
0x4a: {  	v47 =	vcvt.s32.f32 v31;
	v51 =	vcvt.s32.f32 v35;
	v0 =	vsub.f32 v0, v12  }
0x4b: {  	v12 =	vsub.f32 v18, v17;
	v18 =	vmin.f32 v7, $6.200000000e+01;
	v7 =	vtrunc.f32 v1  }
0x4c: {  	v3 =	vmin.f32 v3, $6.200000000e+01;
	v52 =	vcvt.s32.f32 v21;
	v38 =	vld.idx.msk [tilespmem:v31+s13+$0x0], $0xffff;
	v27 =	vcvt.f32.s32 v7  }
0x4d: {  	v39 =	vld.idx.msk [tilespmem:v35+s2+$0x0], $0xffff;
	v0 =	vmul.f32 v0, v12;
	v12 =	vtrunc.f32 v3  }
0x4e: {  	v53 =	vcvt.s32.f32 v36;
	v56 =	vld.idx.msk [tilespmem:v21+s2+$0x0], $0xffff;
	v34 =	vcvt.f32.s32 v12  }
0x4f: {  	v40 =	vcvt.s32.f32 v9;
	v41 =	vcvt.s32.f32 v10;
	v21 =	vld.idx.msk [tilespmem:v21+s13+$0x0], $0xffff  }
0x50: {  	v42 =	vcvt.s32.f32 v11;
	v2 =	vsub.f32 v2, v47;
	v4 =	vsub.f32 v4, v51;
	v44 =	vld.idx.msk [tilespmem:v36+s2+$0x0], $0xffff  }
0x51: {  	v33 =	vsub.f32 v5, v52;
	v23 =	vtrunc.f32 v18;
	v12 =	vcvt.f32.s32 v29;
	v29 =	vld.idx.msk [tilespmem:v31+s2+$0x0], $0xffff  }
0x52: {  	v6 =	vsub.f32 v6, v53;
	v7 =	vcvt.f32.s32 v13;
	v13 =	vcvt.f32.s32 v16;
	v37 =	vld.idx.msk [tilespmem:v27+s2+$0x0], $0xffff  }
0x53: {  	v60 =	vsub.f32 v20, v41;
	v23 =	vcvt.f32.s32 v23;
	v25 =	vld.idx.msk [tilespmem:v27+s13+$0x0], $0xffff;
	v27 =	vcvt.s32.f32 v27  }
0x54: {  	v55 =	vcvt.s32.f32 v7;
	v14 =	vadd.f32 v0, v17;
	v17 =	vcvt.s32.f32 v34;
	v31 =	vld.idx.msk [tilespmem:v34+s2+$0x0], $0xffff  }
0x55: {  	v46 =	vcvt.s32.f32 v49;
	v61 =	vsub.f32 v22, v42;
	v1 =	vsub.f32 v1, v27;
	v27 =	vld.idx.msk [tilespmem:v34+s13+$0x0], $0xffff  }
0x56: {  	v45 =	vcvt.s32.f32 v13;
	v58 =	vsub.f32 v8, v55;
	v3 =	vsub.f32 v3, v17;
	v17 =	vld.idx.msk [tilespmem:v35+s13+$0x0], $0xffff  }
0x57: {  	s7 =	simm.s32 $0x800;
	s11 =	simm.s32 $0x100;
	v57 =	vld.idx.msk [tilespmem:v36+s13+$0x0], $0xffff;
	v36 =	vsub.f32 v28, v46;
	v21 =	vsub.f32 v21, v56;
	v43 =	vcvt.s32.f32 v12  }
0x58: {  	s29 =	simm.s32 $0x20;
	s3 =	sand.u32 $0x2000, s11;
	s0 =	sand.u32 $0x1800, s7;
	v8 =	vsub.f32 v19, v40;
	v63 =	vsub.f32 v26, v45;
	[tilespmem:$0x1FFD0] =	vst v58  }
0x59: {  	s31 =	sand.u32 $0x380, s29;
	s0 =	sor.u32 s0, s3;
	v62 =	vsub.f32 v24, v43;
	v38 =	vsub.f32 v38, v29;
	v59 =	vld.idx.msk [tilespmem:v23+s2+$0x0], $0xffff;
	[tilespmem:$0x1FEF0] =	vst v60  }
0x5a: {  	s28 =	sor.u32 s31, s0;
	v47 =	vcvt.s32.f32 v50;
	v19 =	vld.idx.msk [tilespmem:v23+s13+$0x0], $0xffff;
	[tilespmem:$0x1FF00] =	vst v61;
	v25 =	vsub.f32 v25, v37;
	v27 =	vsub.f32 v27, v31  }
0x5b: {  	v54 =	vcvt.s32.f32 v23;
	v23 =	vmul.f32 v2, v38;
	v17 =	vsub.f32 v17, v39;
	v22 =	vld [tilespmem:s28+$0x570];
	[tilespmem:$0x1FF10] =	vst v62  }
0x5c: {  	v38 =	vsub.f32 v30, v47;
	[tilespmem:$0x1FF20] =	vst v63;
	v20 =	vmul.f32 v1, v25;
	v25 =	vmul.f32 v3, v27  }
0x5d: {  	v28 =	vsub.f32 v57, v44;
	v18 =	vsub.f32 v18, v54;
	v24 =	vld [tilespmem:s28+$0x100];
	[tilespmem:$0x1FF30] =	vst v36;
	v27 =	vmul.f32 v4, v17  }
0x5e: {  	v26 =	vld [tilespmem:s28+$0x110];
	[tilespmem:$0x1FF40] =	vst v38;
	v42 =	vadd.f32 v20, v37;
	v20 =	vmul.f32 v33, v21;
	v40 =	vadd.f32 v25, v31  }
0x5f: {  	v6 =	vmul.f32 v6, v28;
	v30 =	vld [tilespmem:s28+$0x120];
	v19 =	vsub.f32 v19, v59;
	v41 =	vadd.f32 v27, v39  }
0x60: {  	v21 =	vld [tilespmem:s28+$0x130];
	v45 =	vadd.f32 v20, v56;
	[tilespmem:$0x1FFA0] =	vst v40  }
0x61: {  	v46 =	vadd.f32 v6, v44;
	v43 =	vadd.f32 v23, v29;
	v6 =	vmul.f32 v18, v19;
	v23 =	vld [tilespmem:s28+$0x140];
	[tilespmem:$0x1FFB0] =	vst v41  }
0x62: {  	v22 =	vmul.f32 $3.100000000e+01, v22;
	[tilespmem:$0x1FFC0] =	vst v45  }
0x63: {  	v47 =	vadd.f32 v6, v59;
	v20 =	vld [tilespmem:s28+$0x150];
	[tilespmem:$0x1FFE0] =	vst v46  }
0x64: {  	v22 =	vadd.f32 $3.100000000e+01, v22;
	v19 =	vld [tilespmem:s28+$0x160]  }
0x65: {  	v18 =	vmul.f32 $3.100000000e+01, v26;
	v26 =	vld [tilespmem:s28+$0x170];
	[tilespmem:$0x1FFF0] =	vst v47  }
0x66: {  	v6 =	vmul.f32 $3.100000000e+01, v21;
	v22 =	vmax.f32 v22, $0.0e+00;
	v21 =	vld [tilespmem:s28+$0x500]  }
0x67: {  	v22 =	vmin.f32 v22, $6.200000000e+01;
	v27 =	vld [tilespmem:s28+$0x510]  }
0x68: {  	v24 =	vmul.f32 $3.100000000e+01, v24;
	v29 =	vtrunc.f32 v22;
	v28 =	vld [tilespmem:s28+$0x520]  }
0x69: {  	v25 =	vmul.f32 $3.100000000e+01, v30;
	v30 =	vld [tilespmem:s28+$0x530];
	v29 =	vcvt.f32.s32 v29  }
0x6a: {  	v31 =	vld [tilespmem:s28+$0x540]  }
0x6b: {  	v24 =	vadd.f32 $3.100000000e+01, v24;
	v48 =	vld [tilespmem:s28+$0x550]  }
0x6c: {  	v18 =	vadd.f32 $3.100000000e+01, v18;
	v6 =	vadd.f32 $3.100000000e+01, v6;
	v51 =	vld [tilespmem:s28+$0x560]  }
0x6d: {  	v25 =	vadd.f32 $3.100000000e+01, v25;
	v24 =	vmax.f32 v24, $0.0e+00;
	v35 =	vld.idx.msk [tilespmem:v7+s13+$0x0], $0xffff;
	v21 =	vmul.f32 $3.100000000e+01, v21  }
0x6e: {  	v24 =	vmin.f32 v24, $6.200000000e+01;
	v0 =	vld.idx.msk [tilespmem:v9+s2+$0x0], $0xffff;
	v52 =	vmax.f32 v6, $0.0e+00;
	v20 =	vmul.f32 $3.100000000e+01, v20  }
0x6f: {  	v19 =	vmul.f32 $3.100000000e+01, v19;
	v53 =	vld.idx.msk [tilespmem:v29+s13+$0x0], $0xffff;
	v6 =	vadd.f32 $3.100000000e+01, v21;
	v21 =	vmul.f32 $3.100000000e+01, v28  }
0x70: {  	v25 =	vmax.f32 v25, $0.0e+00;
	v28 =	vmul.f32 $3.100000000e+01, v30;
	v30 =	vmul.f32 $3.100000000e+01, v31;
	v31 =	vld.idx.msk [tilespmem:v29+s2+$0x0], $0xffff  }
0x71: {  	v1 =	vld.idx.msk [tilespmem:v10+s2+$0x0], $0xffff;
	v45 =	vmin.f32 v25, $6.200000000e+01;
	v20 =	vadd.f32 $3.100000000e+01, v20;
	v19 =	vadd.f32 $3.100000000e+01, v19  }
0x72: {  	v41 =	vld.idx.msk [tilespmem:v10+s13+$0x0], $0xffff;
	v46 =	vmin.f32 v52, $6.200000000e+01;
	v32 =	vmul.f32 $3.100000000e+01, v48;
	v33 =	vmul.f32 $3.100000000e+01, v51  }
0x73: {  	v2 =	vld.idx.msk [tilespmem:v11+s2+$0x0], $0xffff;
	v20 =	vmax.f32 v20, $0.0e+00;
	v29 =	vcvt.s32.f32 v29;
	v19 =	vmax.f32 v19, $0.0e+00  }
0x74: {  	v56 =	vld.idx.msk [tilespmem:v11+s13+$0x0], $0xffff;
	v28 =	vadd.f32 $3.100000000e+01, v28;
	v54 =	vmax.f32 v6, $0.0e+00;
	v6 =	vadd.f32 $3.100000000e+01, v32  }
0x75: {  	v3 =	vld.idx.msk [tilespmem:v12+s2+$0x0], $0xffff;
	v51 =	vmin.f32 v20, $6.200000000e+01;
	v22 =	vsub.f32 v22, v29;
	v25 =	vsub.f32 v53, v31  }
0x76: {  	v20 =	vld.idx.msk [tilespmem:v9+s13+$0x0], $0xffff;
	v58 =	vmin.f32 v19, $6.200000000e+01;
	v55 =	vmax.f32 v28, $0.0e+00;
	v28 =	vadd.f32 $3.100000000e+01, v33  }
0x77: {  	v33 =	vmax.f32 v6, $0.0e+00;
	v6 =	vld.idx.msk [tilespmem:v7+s2+$0x0], $0xffff;
	v19 =	vmul.f32 v22, v25;
	v22 =	vtrunc.f32 v24  }
0x78: {  	v18 =	vmax.f32 v18, $0.0e+00;
	v4 =	vld.idx.msk [tilespmem:v13+s2+$0x0], $0xffff;
	v40 =	vtrunc.f32 v46;
	v22 =	vcvt.f32.s32 v22  }
0x79: {  	v18 =	vmin.f32 v18, $6.200000000e+01;
	v16 =	vld.idx.msk [tilespmem:v13+s13+$0x0], $0xffff;
	v36 =	vcvt.f32.s32 v40  }
0x7a: {  	v38 =	vtrunc.f32 v18;
	v29 =	vmin.f32 v33, $6.200000000e+01;
	v33 =	vld.idx.msk [tilespmem:v12+s13+$0x0], $0xffff;
	[tilespmem:$0x1FF50] =	vst v0  }
0x7b: {  	v62 =	vcvt.f32.s32 v38;
	v38 =	vsub.f32 v20, v0;
	v5 =	vld.idx.msk [tilespmem:v49+s2+$0x0], $0xffff;
	[tilespmem:$0x1FF60] =	vst v1;
	v0 =	vcvt.s32.f32 v36  }
0x7c: {  	v21 =	vadd.f32 $3.100000000e+01, v21;
	v52 =	vtrunc.f32 v51;
	v47 =	vld.idx.msk [tilespmem:v49+s13+$0x0], $0xffff;
	v63 =	vsub.f32 v35, v6  }
0x7d: {  	v35 =	vsub.f32 v41, v1;
	v41 =	vcvt.f32.s32 v52;
	v52 =	vsub.f32 v46, v0;
	v0 =	vld.idx.msk [tilespmem:v50+s2+$0x0], $0xffff  }
0x7e: {  	v40 =	vld.idx.msk [tilespmem:v22+s2+$0x0], $0xffff  }
0x7f: {  	v21 =	vmax.f32 v21, $0.0e+00;
	v34 =	vld.idx.msk [tilespmem:v22+s13+$0x0], $0xffff;
	[tilespmem:$0x1FF70] =	vst v2  }
0x80: {  	v44 =	vmax.f32 v28, $0.0e+00;
	v28 =	vmin.f32 v21, $6.200000000e+01;
	v21 =	vtrunc.f32 v45;
	v46 =	vld.idx.msk [tilespmem:v50+s13+$0x0], $0xffff;
	[tilespmem:$0x1FF80] =	vst v3  }
0x81: {  	v15 =	vcvt.f32.s32 v21;
	[tilespmem:$0x1FF90] =	vst v4  }
0x82: {  	[tilespmem:s26+$0x8570] =	vst v14  }
0x83: {  	v9 =	vadd.f32 v19, v31;
	v31 =	vcvt.s32.f32 v15;
	[tilespmem:s26+$0x8100] =	vst v42  }
0x84: {  	[tilespmem:s26+$0x8110] =	vst v43  }
0x85: {  	v7 =	vmin.f32 v54, $6.200000000e+01;
	v54 =	vsub.f32 v45, v31;
	v31 =	vsub.f32 v56, v2;
	v56 =	vld [tilespmem:$0x1FFA0];
	_ =	sdelay $0x3  }
0x86: {  	v23 =	vmul.f32 $3.100000000e+01, v23;
	v20 =	vcvt.s32.f32 v22  }
0x87: {  	v26 =	vmul.f32 $3.100000000e+01, v26;
	v59 =	vtrunc.f32 v28;
	[tilespmem:s26+$0x8120] =	vst v56  }
0x88: {  	v23 =	vadd.f32 $3.100000000e+01, v23;
	v39 =	vsub.f32 v24, v20;
	v20 =	vcvt.f32.s32 v59;
	v59 =	vld [tilespmem:$0x1FFB0]  }
0x89: {  	v26 =	vadd.f32 $3.100000000e+01, v26;
	v30 =	vadd.f32 $3.100000000e+01, v30  }
0x8a: {  	v27 =	vmul.f32 $3.100000000e+01, v27;
	v23 =	vmax.f32 v23, $0.0e+00  }
0x8b: {  	v26 =	vmax.f32 v26, $0.0e+00;
	v30 =	vmax.f32 v30, $0.0e+00;
	v21 =	vcvt.s32.f32 v62  }
0x8c: {  	v27 =	vadd.f32 $3.100000000e+01, v27;
	v61 =	vmin.f32 v26, $6.200000000e+01;
	v25 =	vmin.f32 v30, $6.200000000e+01  }
0x8d: {  	v26 =	vmin.f32 v55, $6.200000000e+01;
	v60 =	vtrunc.f32 v25;
	v55 =	vsub.f32 v18, v21;
	[tilespmem:s26+$0x8130] =	vst v59  }
0x8e: {  	v18 =	vcvt.f32.s32 v60;
	v14 =	vmovc v0;
	v60 =	vsub.f32 v34, v40;
	v34 =	vsub.f32 v46, v0;
	v0 =	vld [tilespmem:$0x1FFC0]  }
0x8f: {  	v48 =	vmin.f32 v23, $6.200000000e+01;
	v27 =	vmax.f32 v27, $0.0e+00  }
0x90: {  	v32 =	vtrunc.f32 v48;
	v27 =	vmin.f32 v27, $6.200000000e+01  }
0x91: {  	v37 =	vcvt.f32.s32 v32;
	v57 =	vtrunc.f32 v27  }
0x92: {  	v23 =	vmin.f32 v44, $6.200000000e+01;
	v44 =	vtrunc.f32 v26;
	v19 =	vtrunc.f32 v7  }
0x93: {  	v22 =	vcvt.f32.s32 v19;
	v19 =	vcvt.f32.s32 v44;
	v44 =	vld.idx.msk [tilespmem:v62+s2+$0x0], $0xffff;
	[tilespmem:s26+$0x8140] =	vst v0  }
0x94: {  	v53 =	vtrunc.f32 v61;
	v43 =	vmul.f32 v39, v60;
	v60 =	vld [tilespmem:$0x1FFE0]  }
0x95: {  	v17 =	vtrunc.f32 v29;
	v30 =	vtrunc.f32 v58;
	v0 =	vld [tilespmem:$0x1FFD0]  }
0x96: {  	v49 =	vtrunc.f32 v23;
	v24 =	vcvt.f32.s32 v53;
	v53 =	vld.idx.msk [tilespmem:v62+s13+$0x0], $0xffff  }
0x97: {  	v45 =	vcvt.f32.s32 v30;
	v30 =	vsub.f32 v47, v5;
	v50 =	vcvt.s32.f32 v37;
	v47 =	vld.idx.msk [tilespmem:v15+s2+$0x0], $0xffff  }
0x98: {  	v32 =	vsub.f32 v16, v4;
	v17 =	vcvt.f32.s32 v17;
	v16 =	vcvt.f32.s32 v49;
	v49 =	vld.idx.msk [tilespmem:v36+s2+$0x0], $0xffff  }
0x99: {  	v21 =	vcvt.f32.s32 v57;
	v62 =	vcvt.s32.f32 v41;
	v57 =	vsub.f32 v48, v50;
	v50 =	vld.idx.msk [tilespmem:v15+s13+$0x0], $0xffff;
	[tilespmem:s26+$0x8150] =	vst v60  }
0x9a: {  	v33 =	vsub.f32 v33, v3;
	v15 =	vcvt.s32.f32 v45;
	v48 =	vmul.f32 v0, v63;
	v0 =	vld [tilespmem:$0x1FFF0]  }
0x9b: {  	v42 =	vld.idx.msk [tilespmem:v36+s13+$0x0], $0xffff;
	v36 =	vcvt.s32.f32 v20;
	v39 =	vcvt.s32.f32 v24;
	v56 =	vsub.f32 v51, v62  }
0x9c: {  	v46 =	vcvt.s32.f32 v22;
	v51 =	vsub.f32 v58, v15;
	v58 =	vld.idx.msk [tilespmem:v37+s13+$0x0], $0xffff;
	v63 =	vsub.f32 v53, v44  }
0x9d: {  	v62 =	vcvt.s32.f32 v21;
	v15 =	vsub.f32 v61, v39;
	v61 =	vcvt.s32.f32 v17;
	v53 =	vld.idx.msk [tilespmem:v37+s2+$0x0], $0xffff  }
0x9e: {  	v46 =	vsub.f32 v7, v46;
	v59 =	vcvt.s32.f32 v18;
	[tilespmem:s28+$0x8570] =	vst v9;
	v39 =	vmul.f32 v55, v63;
	v55 =	vld.idx.msk [tilespmem:v41+s2+$0x0], $0xffff  }
0x9f: {  	s30 =	simm.s32 $0x200;
	s3 =	simm.s32 $0x1000;
	s0 =	simm.s32 $0x10;
	v13 =	vmovc v5;
	v50 =	vsub.f32 v50, v47;
	v60 =	vcvt.s32.f32 v19;
	v37 =	vcvt.s32.f32 v16;
	v41 =	vld.idx.msk [tilespmem:v41+s13+$0x0], $0xffff;
	[tilespmem:s26+$0x8160] =	vst v0  }
.LBB2_3:
0xa0: {  	v63 =	vld.idx.msk [tilespmem:v45+s2+$0x0], $0xffff  }
0xa1: {  	v45 =	vld.idx.msk [tilespmem:v45+s13+$0x0], $0xffff  }
0xa2: {  	v0 =	vld [tilespmem:$0x1FEF0]  }
0xa3: {  	s4 =	sand.u32 $0x2000, s30;
	s6 =	sand.u32 $0x1800, s3;
	s29 =	sadd.s32 $0x20, s29;
	v27 =	vsub.f32 v27, v62;
	v62 =	vld [tilespmem:$0x1FF00]  }
0xa4: {  	s4 =	sor.u32 s6, s4;
	s31 =	sand.u32 $0x380, s29;
	v29 =	vsub.f32 v29, v61;
	v61 =	vadd.f32 v43, v40;
	v40 =	vld [tilespmem:$0x1FF10]  }
0xa5: {  	v23 =	vsub.f32 v23, v37;
	v37 =	vld [tilespmem:$0x1FF40];
	s31 =	sor.u32 s31, s4  }
0xa6: {  	v28 =	vsub.f32 v28, v36;
	v26 =	vsub.f32 v26, v60;
	v60 =	vmov v27;
	v27 =	vld [tilespmem:s31+$0x100]  }
0xa7: {  	v25 =	vsub.f32 v25, v59;
	v2 =	vmovc v29;
	v29 =	vld [tilespmem:s31+$0x150];
	v36 =	vmul.f32 v8, v38;
	v8 =	vmul.f32 v54, v50  }
0xa8: {  	v54 =	vsub.f32 v42, v49;
	v59 =	vsub.f32 v58, v53;
	v42 =	vmul.f32 v0, v35;
	v35 =	vld [tilespmem:s31+$0x570]  }
0xa9: {  	[tilespmem:s28+$0x8100] =	vst v61;
	v61 =	vadd.f32 v39, v44;
	v44 =	vsub.f32 v45, v63;
	v45 =	vmov v25;
	v25 =	vld [tilespmem:s31+$0x140]  }
0xaa: {  	v43 =	vmul.f32 v62, v31;
	v31 =	vmul.f32 v57, v59;
	v59 =	vld [tilespmem:$0x1FF20]  }
0xab: {  	[tilespmem:$0x1FEF0] =	vst v60;
	v60 =	vmov v26;
	v26 =	vld [tilespmem:s31+$0x120]  }
0xac: {  	v58 =	vsub.f32 v41, v55;
	v38 =	vmul.f32 v52, v54;
	v62 =	vld [tilespmem:$0x1FF30]  }
0xad: {  	v40 =	vmul.f32 v40, v33;
	v37 =	vmul.f32 v37, v34;
	v4 =	vadd.f32 v8, v47;
	v57 =	vld [tilespmem:s31+$0x170]  }
0xae: {  	v8 =	vmul.f32 v56, v58;
	v58 =	vld [tilespmem:s31+$0x500];
	v33 =	vmul.f32 v51, v44;
	v52 =	vadd.f32 v38, v49  }
0xaf: {  	v54 =	vmovc v28;
	v31 =	vadd.f32 v31, v53;
	v27 =	vmul.f32 $3.100000000e+01, v27;
	v29 =	vmul.f32 $3.100000000e+01, v29  }
0xb0: {  	v0 =	vld [tilespmem:s31+$0x560];
	[tilespmem:$0x1FF00] =	vst v54;
	v54 =	vadd.f32 v8, v55;
	v55 =	vadd.f32 v48, v6;
	v47 =	vmul.f32 $3.100000000e+01, v35  }
0xb1: {  	v28 =	vld [tilespmem:s31+$0x110];
	[tilespmem:s28+$0x8110] =	vst v61;
	v27 =	vadd.f32 $3.100000000e+01, v27;
	v25 =	vmul.f32 $3.100000000e+01, v25;
	v41 =	vmul.f32 v59, v32  }
0xb2: {  	v61 =	vld [tilespmem:s31+$0x530];
	[tilespmem:s28+$0x8140] =	vst v31;
	v31 =	vadd.f32 v33, v63;
	v39 =	vmul.f32 v62, v30;
	v26 =	vmul.f32 $3.100000000e+01, v26  }
0xb3: {  	v50 =	vld.idx.msk [tilespmem:v24+s2+$0x0], $0xffff;
	v29 =	vadd.f32 $3.100000000e+01, v29;
	v38 =	vmul.f32 $3.100000000e+01, v57;
	v33 =	vmul.f32 $3.100000000e+01, v58  }
0xb4: {  	v63 =	vld [tilespmem:s31+$0x550];
	v34 =	vadd.f32 $3.100000000e+01, v47;
	v25 =	vadd.f32 $3.100000000e+01, v25;
	v27 =	vmax.f32 v27, $0.0e+00  }
0xb5: {  	v30 =	vld [tilespmem:s31+$0x130];
	v29 =	vmax.f32 v29, $0.0e+00;
	v47 =	vmul.f32 $3.100000000e+01, v0;
	v26 =	vadd.f32 $3.100000000e+01, v26  }
0xb6: {  	v1 =	vmovc v23;
	v59 =	vld [tilespmem:s31+$0x510];
	v23 =	vmul.f32 $3.100000000e+01, v28;
	v38 =	vadd.f32 $3.100000000e+01, v38;
	v33 =	vadd.f32 $3.100000000e+01, v33  }
0xb7: {  	v62 =	vld [tilespmem:s31+$0x540];
	v32 =	vmul.f32 $3.100000000e+01, v61;
	v57 =	vmin.f32 v27, $6.200000000e+01;
	v48 =	vmin.f32 v29, $6.200000000e+01  }
0xb8: {  	v49 =	vld.idx.msk [tilespmem:v22+s2+$0x0], $0xffff;
	v34 =	vmax.f32 v34, $0.0e+00;
	v25 =	vmax.f32 v25, $0.0e+00;
	v47 =	vadd.f32 $3.100000000e+01, v47  }
0xb9: {  	v22 =	vld.idx.msk [tilespmem:v22+s13+$0x0], $0xffff;
	[tilespmem:s26+$0x8170] =	vst v55;
	v23 =	vadd.f32 $3.100000000e+01, v23;
	v34 =	vmin.f32 v34, $6.200000000e+01;
	v26 =	vmax.f32 v26, $0.0e+00  }
0xba: {  	[tilespmem:$0x1FF20] =	vst v45;
	v56 =	vmovc v46;
	v24 =	vld.idx.msk [tilespmem:v24+s13+$0x0], $0xffff;
	v32 =	vadd.f32 $3.100000000e+01, v32;
	v46 =	vmul.f32 $3.100000000e+01, v63;
	v38 =	vmax.f32 v38, $0.0e+00  }
0xbb: {  	[tilespmem:$0x1FF10] =	vst v60;
	v28 =	vld [tilespmem:s31+$0x160];
	v33 =	vmax.f32 v33, $0.0e+00;
	v30 =	vmul.f32 $3.100000000e+01, v30;
	v60 =	vtrunc.f32 v34  }
0xbc: {  	[tilespmem:s28+$0x8160] =	vst v31;
	v31 =	vld [tilespmem:s31+$0x520];
	v53 =	vmin.f32 v25, $6.200000000e+01;
	v35 =	vmul.f32 $3.100000000e+01, v59;
	v45 =	vmul.f32 $3.100000000e+01, v62  }
0xbd: {  	v12 =	vld [tilespmem:$0x1FF60];
	v6 =	vmovc v50;
	v59 =	vmin.f32 v26, $6.200000000e+01;
	v50 =	vmin.f32 v38, $6.200000000e+01;
	v44 =	vcvt.f32.s32 v60  }
0xbe: {  	[tilespmem:$0x1FEE0] =	vst v56;
	v56 =	vld.idx.msk [tilespmem:v20+s2+$0x0], $0xffff;
	v62 =	vtrunc.f32 v53;
	v38 =	vsub.f32 v22, v49;
	v22 =	vtrunc.f32 v48  }
0xbf: {  	v20 =	vld.idx.msk [tilespmem:v20+s13+$0x0], $0xffff;
	v23 =	vmax.f32 v23, $0.0e+00;
	v46 =	vadd.f32 $3.100000000e+01, v46;
	v32 =	vmax.f32 v32, $0.0e+00  }
0xc0: {  	[tilespmem:s28+$0x8150] =	vst v54;
	v54 =	vld.idx.msk [tilespmem:v21+s2+$0x0], $0xffff;
	v55 =	vtrunc.f32 v59;
	v63 =	vsub.f32 v24, v6;
	v11 =	vcvt.f32.s32 v22  }
0xc1: {  	v21 =	vld.idx.msk [tilespmem:v21+s13+$0x0], $0xffff;
	v30 =	vadd.f32 $3.100000000e+01, v30;
	v28 =	vmul.f32 $3.100000000e+01, v28;
	v31 =	vmul.f32 $3.100000000e+01, v31  }
0xc2: {  	[tilespmem:s28+$0x8130] =	vst v52;
	v52 =	vld.idx.msk [tilespmem:v17+s2+$0x0], $0xffff;
	v35 =	vadd.f32 $3.100000000e+01, v35;
	v45 =	vadd.f32 $3.100000000e+01, v45;
	v58 =	vmin.f32 v23, $6.200000000e+01  }
0xc3: {  	[tilespmem:$0x1FF40] =	vst v1;
	v23 =	vmax.f32 v47, $0.0e+00;
	v55 =	vcvt.f32.s32 v55;
	v3 =	vmax.f32 v46, $0.0e+00;
	v1 =	vld.idx.msk [tilespmem:v44+s2+$0x0], $0xffff  }
0xc4: {  	[tilespmem:$0x1FF30] =	vst v2;
	v46 =	vmin.f32 v33, $6.200000000e+01;
	v23 =	vmin.f32 v23, $6.200000000e+01;
	v28 =	vadd.f32 $3.100000000e+01, v28;
	v2 =	vld.idx.msk [tilespmem:v44+s13+$0x0], $0xffff  }
0xc5: {  	v17 =	vld.idx.msk [tilespmem:v17+s13+$0x0], $0xffff;
	v30 =	vmax.f32 v30, $0.0e+00;
	v31 =	vadd.f32 $3.100000000e+01, v31;
	v35 =	vmax.f32 v35, $0.0e+00  }
0xc6: {  	v61 =	vld.idx.msk [tilespmem:v16+s2+$0x0], $0xffff;
	v45 =	vmax.f32 v45, $0.0e+00;
	v5 =	vtrunc.f32 v23;
	v60 =	vmin.f32 v30, $6.200000000e+01  }
0xc7: {  	v16 =	vld.idx.msk [tilespmem:v16+s13+$0x0], $0xffff;
	v25 =	vmin.f32 v45, $6.200000000e+01;
	v45 =	vtrunc.f32 v58;
	v44 =	vcvt.s32.f32 v44  }
0xc8: {  	v47 =	vld.idx.msk [tilespmem:v18+s2+$0x0], $0xffff;
	v28 =	vmax.f32 v28, $0.0e+00;
	v24 =	vtrunc.f32 v60;
	v8 =	vcvt.f32.s32 v45  }
0xc9: {  	v18 =	vld.idx.msk [tilespmem:v18+s13+$0x0], $0xffff;
	v51 =	vmin.f32 v28, $6.200000000e+01;
	v26 =	vsub.f32 v34, v44;
	v27 =	vsub.f32 v2, v1  }
0xca: {  	v31 =	vmax.f32 v31, $0.0e+00;
	v9 =	vcvt.f32.s32 v24;
	v0 =	vtrunc.f32 v51;
	v44 =	vld.idx.msk [tilespmem:v19+s2+$0x0], $0xffff  }
0xcb: {  	v28 =	vmin.f32 v31, $6.200000000e+01;
	v19 =	vld.idx.msk [tilespmem:v19+s13+$0x0], $0xffff;
	v34 =	vtrunc.f32 v57;
	v29 =	vmul.f32 v26, v27  }
0xcc: {  	v10 =	vld [tilespmem:$0x1FF50];
	v31 =	vsub.f32 v20, v56;
	v45 =	vcvt.f32.s32 v0;
	v7 =	vcvt.f32.s32 v34  }
0xcd: {  	v34 =	vsub.f32 v16, v61;
	v2 =	vtrunc.f32 v28;
	v30 =	vadd.f32 v29, v1  }
0xce: {  	v16 =	vmovc v56;
	v56 =	vcvt.s32.f32 v7;
	v27 =	vmin.f32 v35, $6.200000000e+01;
	v35 =	vsub.f32 v21, v54  }
0xcf: {  	v26 =	vmin.f32 v32, $6.200000000e+01;
	[tilespmem:s31+$0x8570] =	vst v30;
	v30 =	vsub.f32 v17, v52;
	v17 =	vadd.f32 v42, v12;
	v42 =	vld [tilespmem:$0x1FF70]  }
0xd0: {  	v21 =	vtrunc.f32 v50;
	v33 =	vsub.f32 v19, v44;
	v32 =	vsub.f32 v18, v47  }
0xd1: {  	[tilespmem:s28+$0x8120] =	vst v4;
	v18 =	vadd.f32 v36, v10;
	v10 =	vmovc v49;
	v20 =	vtrunc.f32 v27;
	v19 =	vtrunc.f32 v26  }
0xd2: {  	[tilespmem:$0x1FF50] =	vst v10;
	v10 =	vcvt.f32.s32 v62;
	v62 =	vmov v54;
	v24 =	vcvt.f32.s32 v21  }
0xd3: {  	v54 =	vadd.f32 v39, v13;
	v39 =	vcvt.s32.f32 v45;
	v29 =	vmin.f32 v3, $6.200000000e+01;
	[tilespmem:$0x1FF60] =	vst v62  }
0xd4: {  	v1 =	vtrunc.f32 v46;
	v3 =	vtrunc.f32 v25;
	[tilespmem:s26+$0x8500] =	vst v18;
	v0 =	vadd.f32 v43, v42;
	v43 =	vld [tilespmem:$0x1FF80]  }
0xd5: {  	v49 =	vmov v47;
	v47 =	vld.idx.msk [tilespmem:v55+s2+$0x0], $0xffff;
	v21 =	vcvt.f32.s32 v20;
	v20 =	vcvt.f32.s32 v2;
	[tilespmem:s26+$0x8550] =	vst v54  }
0xd6: {  	v19 =	vcvt.f32.s32 v19;
	v62 =	vadd.f32 v37, v14;
	v4 =	vtrunc.f32 v29;
	[tilespmem:$0x1FF70] =	vst v16;
	v12 =	vmovc v44;
	v44 =	vld [tilespmem:$0x1FF90]  }
0xd7: {  	v2 =	vld.idx.msk [tilespmem:v8+s13+$0x0], $0xffff;
	v22 =	vcvt.f32.s32 v1;
	v18 =	vcvt.f32.s32 v3;
	[tilespmem:$0x1FF90] =	vst v49  }
0xd8: {  	v3 =	vld.idx.msk [tilespmem:v7+s13+$0x0], $0xffff;
	v16 =	vcvt.f32.s32 v5;
	v5 =	vcvt.s32.f32 v55;
	[tilespmem:s26+$0x8560] =	vst v62  }
0xd9: {  	v62 =	vcvt.s32.f32 v21;
	v36 =	vcvt.s32.f32 v20;
	[tilespmem:s26+$0x8510] =	vst v17;
	v1 =	vadd.f32 v40, v43;
	v40 =	vld.idx.msk [tilespmem:v7+s2+$0x0], $0xffff  }
0xda: {  	v49 =	vld.idx.msk [tilespmem:v9+s2+$0x0], $0xffff;
	v17 =	vcvt.f32.s32 v4;
	v4 =	vcvt.s32.f32 v8;
	v54 =	vsub.f32 v59, v5;
	[tilespmem:$0x1FF80] =	vst v12  }
0xdb: {  	v59 =	vcvt.s32.f32 v18;
	v12 =	vcvt.s32.f32 v22;
	[tilespmem:s26+$0x8520] =	vst v0;
	v0 =	vadd.f32 v41, v44;
	v44 =	vld.idx.msk [tilespmem:v8+s2+$0x0], $0xffff  }
0xdc: {  	s0 =	sadd.s32 $0x10, s0;
	v14 =	vmovc v61;
	v51 =	vsub.f32 v51, v39;
	v5 =	vld.idx.msk [tilespmem:v55+s13+$0x0], $0xffff;
	v37 =	vcvt.s32.f32 v16;
	v61 =	vcvt.s32.f32 v17  }
0xdd: {  	p1 =	slt.u32 s0, $0x3F0;
	v13 =	vmovc v52;
	v55 =	vld.idx.msk [tilespmem:v11+s2+$0x0], $0xffff;
	v8 =	vcvt.s32.f32 v10;
	v46 =	vsub.f32 v46, v12;
	v7 =	vcvt.s32.f32 v9  }
.Ltmp0:
0xde: {  	v42 =	vld.idx.msk [tilespmem:v9+s13+$0x0], $0xffff;
	v41 =	vcvt.s32.f32 v24;
	[tilespmem:s26+$0x8530] =	vst v1;
	v1 =	vsub.f32 v57, v56;
	v3 =	vsub.f32 v3, v40;
	(pc) =	sbr.rel @p1 .LBB2_3-.Ltmp0, $4  }
0xdf: {  	[tilespmem:s26+$0x8540] =	vst v0;
	v0 =	vsub.f32 v58, v4;
	v4 =	vcvt.s32.f32 v11;
	v58 =	vld.idx.msk [tilespmem:v10+s13+$0x0], $0xffff;
	v52 =	vsub.f32 v60, v7  }
0xe0: {  	v57 =	vsub.f32 v53, v8;
	v8 =	vld [tilespmem:$0x1FEE0];
	v43 =	vmul.f32 v1, v3;
	v1 =	vsub.f32 v2, v44  }
0xe1: {  	s3 =	sadd.s32 $0x800, s3;
	v60 =	vcvt.s32.f32 v19;
	v53 =	vld.idx.msk [tilespmem:v10+s2+$0x0], $0xffff;
	v56 =	vsub.f32 v48, v4;
	v48 =	vmul.f32 v15, v63  }
0xe2: {  	s30 =	sadd.s32 $0x100, s30;
	s26 =	smov.u32 s28;
	s28 =	smov.u32 s31;
	v15 =	vsub.f32 v50, v41;
	v50 =	vsub.f32 v5, v47;
	v41 =	vld.idx.msk [tilespmem:v11+s13+$0x0], $0xffff;
	v39 =	vmul.f32 v0, v1  }
0xe3: {  	_ =	sdelay $0x3  }
0xe4: {  	v0 =	vld.idx.msk [tilespmem:v45+s2+$0x0], $0xffff  }
0xe5: {  	v2 =	vld.idx.msk [tilespmem:v45+s13+$0x0], $0xffff  }
0xe6: {  	v1 =	vsub.f32 v27, v62;
	v4 =	vsub.f32 v42, v49  }
0xe7: {  	v5 =	vld.idx.msk [tilespmem:v24+s2+$0x0], $0xffff;
	v9 =	vsub.f32 v25, v59;
	v12 =	vsub.f32 v29, v61  }
0xe8: {  	v10 =	vld.idx.msk [tilespmem:v24+s13+$0x0], $0xffff;
	v11 =	vmul.f32 v54, v50;
	v59 =	vadd.f32 v39, v44;
	v45 =	vsub.f32 v58, v53  }
0xe9: {  	v25 =	vld.idx.msk [tilespmem:v22+s2+$0x0], $0xffff;
	v4 =	vmul.f32 v52, v4;
	v52 =	vadd.f32 v43, v40;
	v58 =	vsub.f32 v41, v55  }
0xea: {  	v50 =	vld [tilespmem:$0x1FEF0];
	v11 =	vadd.f32 v11, v47;
	[tilespmem:s28+$0x8110] =	vst v59;
	v24 =	vmul.f32 v57, v45;
	v2 =	vsub.f32 v2, v0  }
0xeb: {  	v61 =	vld.idx.msk [tilespmem:v21+s13+$0x0], $0xffff;
	[tilespmem:s28+$0x8100] =	vst v52;
	v4 =	vadd.f32 v4, v49;
	v62 =	vmul.f32 v56, v58  }
0xec: {  	v63 =	vld.idx.msk [tilespmem:v20+s2+$0x0], $0xffff;
	[tilespmem:s28+$0x8120] =	vst v11;
	v24 =	vadd.f32 v24, v53;
	v2 =	vmul.f32 v51, v2  }
0xed: {  	v3 =	vsub.f32 v28, v36;
	v36 =	vld.idx.msk [tilespmem:v20+s13+$0x0], $0xffff;
	[tilespmem:s28+$0x8130] =	vst v4;
	v39 =	vadd.f32 v62, v55  }
0xee: {  	v41 =	vld [tilespmem:$0x1FF00];
	[tilespmem:s28+$0x8140] =	vst v24;
	v0 =	vadd.f32 v2, v0  }
0xef: {  	v43 =	vld [tilespmem:$0x1FF10];
	[tilespmem:s28+$0x8150] =	vst v39  }
0xf0: {  	v6 =	vadd.f32 v48, v6;
	v24 =	vld [tilespmem:$0x1FF20];
	[tilespmem:s28+$0x8160] =	vst v0  }
0xf1: {  	v47 =	vld [tilespmem:$0x1FF50]  }
0xf2: {  	v48 =	vld [tilespmem:$0x1FF30];
	[tilespmem:s26+$0x8170] =	vst v6  }
0xf3: {  	v29 =	vld [tilespmem:$0x1FF60]  }
0xf4: {  	v42 =	vld.idx.msk [tilespmem:v19+s13+$0x0], $0xffff  }
0xf5: {  	v54 =	vld.idx.msk [tilespmem:v22+s13+$0x0], $0xffff;
	v7 =	vmul.f32 v8, v38  }
0xf6: {  	v44 =	vld.idx.msk [tilespmem:v18+s2+$0x0], $0xffff;
	v8 =	vsub.f32 v26, v60;
	v26 =	vmul.f32 v50, v35  }
0xf7: {  	v60 =	vld.idx.msk [tilespmem:v21+s2+$0x0], $0xffff;
	v7 =	vadd.f32 v7, v47  }
0xf8: {  	v40 =	vld.idx.msk [tilespmem:v19+s2+$0x0], $0xffff;
	v26 =	vadd.f32 v26, v29  }
0xf9: {  	v50 =	vld [tilespmem:$0x1FF40];
	[tilespmem:s26+$0x8500] =	vst v7  }
0xfa: {  	v7 =	vld [tilespmem:$0x1FF70];
	[tilespmem:s26+$0x8510] =	vst v26  }
0xfb: {  	v26 =	vld [tilespmem:$0x1FF80]  }
0xfc: {  	v49 =	vld.idx.msk [tilespmem:v17+s2+$0x0], $0xffff  }
0xfd: {  	v52 =	vld.idx.msk [tilespmem:v16+s2+$0x0], $0xffff;
	v27 =	vmul.f32 v41, v31  }
0xfe: {  	v38 =	vsub.f32 v23, v37;
	v45 =	vld.idx.msk [tilespmem:v18+s13+$0x0], $0xffff;
	v19 =	vmul.f32 v43, v33  }
0xff: {  	v10 =	vsub.f32 v10, v5;
	v51 =	vld.idx.msk [tilespmem:v17+s13+$0x0], $0xffff;
	v18 =	vmul.f32 v48, v30;
	v7 =	vadd.f32 v27, v7  }
0x100: {  	v22 =	vsub.f32 v54, v25;
	v53 =	vld.idx.msk [tilespmem:v16+s13+$0x0], $0xffff;
	v29 =	vmul.f32 v50, v34;
	v19 =	vadd.f32 v19, v26  }
0x101: {  	v21 =	vsub.f32 v61, v60;
	v10 =	vmul.f32 v15, v10;
	v13 =	vadd.f32 v18, v13;
	[tilespmem:s26+$0x8520] =	vst v7  }
0x102: {  	v11 =	vsub.f32 v36, v63;
	v55 =	vmul.f32 v46, v22;
	v54 =	vadd.f32 v29, v14;
	v7 =	vld [tilespmem:$0x1FF90];
	[tilespmem:s26+$0x8530] =	vst v19  }
0x103: {  	v2 =	vsub.f32 v42, v40;
	v1 =	vmul.f32 v1, v21;
	v5 =	vadd.f32 v10, v5;
	[tilespmem:s26+$0x8550] =	vst v13  }
0x104: {  	v3 =	vmul.f32 v3, v11;
	v56 =	vadd.f32 v55, v25;
	v0 =	vsub.f32 v45, v44;
	[tilespmem:s26+$0x8560] =	vst v54  }
0x105: {  	v2 =	vmul.f32 v8, v2;
	v1 =	vadd.f32 v1, v60;
	v57 =	vsub.f32 v51, v49;
	[tilespmem:s28+$0x8170] =	vst v5  }
0x106: {  	v3 =	vadd.f32 v3, v63;
	v58 =	vsub.f32 v53, v52;
	v0 =	vmul.f32 v9, v0;
	[tilespmem:s28+$0x8500] =	vst v56  }
0x107: {  	v60 =	vadd.f32 v2, v40;
	v59 =	vmul.f32 v12, v57;
	[tilespmem:s28+$0x8510] =	vst v1  }
0x108: {  	v61 =	vmul.f32 v38, v58;
	v0 =	vadd.f32 v0, v44;
	[tilespmem:s28+$0x8520] =	vst v3  }
0x109: {  	p1 =	sne.s32 s23, $0xF;
	v24 =	vmul.f32 v24, v32;
	v62 =	vadd.f32 v59, v49;
	[tilespmem:s28+$0x8530] =	vst v60  }
.Ltmp1:
0x10a: {  	v63 =	vadd.f32 v61, v52;
	[tilespmem:s28+$0x8540] =	vst v0;
	(pc) =	sbr.rel @p1 .LBB2_6-.Ltmp1, $4  }
0x10b: {  	[tilespmem:s28+$0x8550] =	vst v62;
	v7 =	vadd.f32 v24, v7  }
0x10c: {  	[tilespmem:s28+$0x8560] =	vst v63  }
0x10d: {  	s0 =	sadd.s32 s25, s9;
	[tilespmem:s26+$0x8540] =	vst v7  }
0x10e: {  	[hbm4b:s0+s2] =	stream.linear.scatter [tilespmem:s17], [sflag:$0x3], $0x4000, $0x38;
	[tilespmem:$0x10100] =	vst v63  }
.Ltmp2:
0x10f: {  	(pc) =	sbr.rel .LBB2_7-.Ltmp2, $4  }
0x110: {  	_ = 	snop  }
0x111: {  	_ =	swait.ge [sflag:s18], $0x4000  }
0x112: {  	[sflag:s18] =	ssyncset.done $0x0  }
0x113: {  	[sflag:s18] =	ssyncadd.s32 $0xFFFFC000  }
.LBB2_6:
.Ltmp3:
0x114: {  	s0 =	sadd.s32 s25, s10;
	(pc) =	sbr.rel @p0 .LBB2_8-.Ltmp3, $4  }
0x115: {  	[tilespmem:s14], [sflag:$0x1] =	stream.linear.gather [hbm4b:s0+s2], $0x4000, $0x38;
	[tilespmem:$0x10100] =	vst v63  }
0x116: {  	_ =	swait.ge [sflag:s18], $0x4000  }
0x117: {  	[sflag:s18] =	ssyncset.done $0x0  }
0x118: {  	[sflag:s18] =	ssyncadd.s32 $0xFFFFC000  }
.LBB2_7:
0x119: {  	_ =	swait.ge [sflag:s19], $0x4000  }
0x11a: {  	[sflag:s19] =	ssyncset.done $0x0  }
0x11b: {  	[sflag:s19] =	ssyncadd.s32 $0xFFFFC000  }
.LBB2_8:
0x11c: {  	s0 =	simm.s32 $0x0  }
0x11d: {  	s6 =	sand.u32 $0x1800, s0;
	s25 =	sand.u32 $0x2000, s0  }
0x11e: {  	s26 =	sand.u32 $0x380, s0;
	s6 =	sor.u32 s6, s25  }
0x11f: {  	s25 =	sor.u32 s26, s6  }
0x120: {  	v2 =	vld [tilespmem:s25+$0x4100]  }
0x121: {  	v3 =	vld [tilespmem:s25+$0x4110]  }
0x122: {  	v4 =	vld [tilespmem:s25+$0x4120]  }
0x123: {  	v5 =	vld [tilespmem:s25+$0x4130]  }
0x124: {  	v6 =	vld [tilespmem:s25+$0x4140]  }
0x125: {  	v7 =	vld [tilespmem:s25+$0x4150]  }
0x126: {  	v8 =	vld [tilespmem:s25+$0x4160]  }
0x127: {  	v9 =	vld [tilespmem:s25+$0x4170]  }
0x128: {  	s3 =	sand.u32 $0xFFFFE000, s0;
	s4 =	sand.u32 $0x3, s0;
	v10 =	vld [tilespmem:s25+$0x4500]  }
0x129: {  	s3 =	sadd.s32 $0x0, s3;
	s4 =	sshll.u32 s4, $0xB;
	v11 =	vld [tilespmem:s25+$0x4510]  }
0x12a: {  	s4 =	sadd.s32 s4, s3;
	v13 =	vld [tilespmem:s25+$0x4520];
	v2 =	vmul.f32 $3.100000000e+01, v2;
	v3 =	vmul.f32 $3.100000000e+01, v3  }
0x12b: {  	s3 =	sor.u32 $0x4470, s4;
	v14 =	vld [tilespmem:s25+$0x4530];
	v4 =	vmul.f32 $3.100000000e+01, v4;
	v5 =	vmul.f32 $3.100000000e+01, v5  }
0x12c: {  	v0 =	vld [tilespmem:s3+$0x100];
	v6 =	vmul.f32 $3.100000000e+01, v6;
	v7 =	vmul.f32 $3.100000000e+01, v7  }
0x12d: {  	v15 =	vld [tilespmem:s25+$0x4540];
	v8 =	vmul.f32 $3.100000000e+01, v8;
	v9 =	vmul.f32 $3.100000000e+01, v9  }
0x12e: {  	s0 =	sor.u32 $0x4460, s4;
	v16 =	vld [tilespmem:s25+$0x4550];
	v10 =	vmul.f32 $3.100000000e+01, v10;
	v11 =	vmul.f32 $3.100000000e+01, v11  }
0x12f: {  	v1 =	vld [tilespmem:s0+$0x100];
	v13 =	vmul.f32 $3.100000000e+01, v13;
	v2 =	vadd.f32 $3.100000000e+01, v2;
	v3 =	vadd.f32 $3.100000000e+01, v3  }
0x130: {  	v14 =	vmul.f32 $3.100000000e+01, v14;
	v4 =	vadd.f32 $3.100000000e+01, v4;
	v5 =	vadd.f32 $3.100000000e+01, v5  }
0x131: {  	v0 =	vmul.f32 $3.100000000e+01, v0;
	v6 =	vadd.f32 $3.100000000e+01, v6;
	v7 =	vadd.f32 $3.100000000e+01, v7  }
0x132: {  	v15 =	vmul.f32 $3.100000000e+01, v15;
	v8 =	vadd.f32 $3.100000000e+01, v8;
	v9 =	vadd.f32 $3.100000000e+01, v9  }
0x133: {  	v16 =	vmul.f32 $3.100000000e+01, v16;
	v10 =	vadd.f32 $3.100000000e+01, v10;
	v0 =	vadd.f32 $3.100000000e+01, v0  }
0x134: {  	v1 =	vmul.f32 $3.100000000e+01, v1;
	v11 =	vadd.f32 $3.100000000e+01, v11;
	v13 =	vadd.f32 $3.100000000e+01, v13  }
0x135: {  	v14 =	vadd.f32 $3.100000000e+01, v14;
	v15 =	vadd.f32 $3.100000000e+01, v15;
	v0 =	vmax.f32 v0, $0.0e+00  }
0x136: {  	v16 =	vadd.f32 $3.100000000e+01, v16;
	v1 =	vadd.f32 $3.100000000e+01, v1;
	v0 =	vmin.f32 v0, $6.200000000e+01  }
0x137: {  	v2 =	vmax.f32 v2, $0.0e+00;
	v3 =	vmax.f32 v3, $0.0e+00;
	v12 =	vtrunc.f32 v0  }
0x138: {  	v4 =	vmax.f32 v4, $0.0e+00;
	v5 =	vmax.f32 v5, $0.0e+00;
	v12 =	vcvt.f32.s32 v12  }
0x139: {  	v6 =	vmax.f32 v6, $0.0e+00;
	v7 =	vmax.f32 v7, $0.0e+00;
	v8 =	vmax.f32 v8, $0.0e+00  }
0x13a: {  	v10 =	vmax.f32 v10, $0.0e+00;
	v11 =	vmax.f32 v11, $0.0e+00;
	v13 =	vmax.f32 v13, $0.0e+00  }
0x13b: {  	v14 =	vmax.f32 v14, $0.0e+00;
	v3 =	vmin.f32 v3, $6.200000000e+01;
	v4 =	vmin.f32 v4, $6.200000000e+01  }
0x13c: {  	v5 =	vmin.f32 v5, $6.200000000e+01;
	v6 =	vmin.f32 v6, $6.200000000e+01;
	v7 =	vmin.f32 v7, $6.200000000e+01  }
0x13d: {  	v8 =	vmin.f32 v8, $6.200000000e+01;
	v20 =	vmin.f32 v10, $6.200000000e+01;
	v19 =	vtrunc.f32 v3  }
0x13e: {  	v22 =	vmin.f32 v11, $6.200000000e+01;
	v10 =	vtrunc.f32 v4;
	v21 =	vtrunc.f32 v5;
	v17 =	vld.idx.msk [tilespmem:v12+s2+$0x0], $0xffff  }
0x13f: {  	v24 =	vmin.f32 v13, $6.200000000e+01;
	v11 =	vtrunc.f32 v6;
	v23 =	vtrunc.f32 v7;
	v18 =	vld.idx.msk [tilespmem:v12+s13+$0x0], $0xffff  }
0x140: {  	v26 =	vmin.f32 v14, $6.200000000e+01;
	v13 =	vtrunc.f32 v8;
	v14 =	vtrunc.f32 v20  }
0x141: {  	v15 =	vmax.f32 v15, $0.0e+00;
	v27 =	vtrunc.f32 v22;
	v19 =	vcvt.f32.s32 v19  }
0x142: {  	v28 =	vmin.f32 v15, $6.200000000e+01;
	v15 =	vtrunc.f32 v24;
	v12 =	vcvt.s32.f32 v12  }
0x143: {  	v1 =	vmax.f32 v1, $0.0e+00;
	v31 =	vtrunc.f32 v28;
	v34 =	vcvt.f32.s32 v10  }
0x144: {  	v21 =	vcvt.f32.s32 v21;
	v0 =	vsub.f32 v0, v12;
	v12 =	vsub.f32 v18, v17  }
0x145: {  	v1 =	vmin.f32 v1, $6.200000000e+01;
	v35 =	vcvt.f32.s32 v11;
	v23 =	vcvt.f32.s32 v23  }
0x146: {  	v9 =	vmax.f32 v9, $0.0e+00;
	v0 =	vmul.f32 v0, v12;
	v12 =	vtrunc.f32 v1  }
0x147: {  	v16 =	vmax.f32 v16, $0.0e+00;
	v11 =	vcvt.f32.s32 v14;
	v37 =	vld.idx.msk [tilespmem:v19+s2+$0x0], $0xffff;
	v29 =	vcvt.f32.s32 v12  }
0x148: {  	v2 =	vmin.f32 v2, $6.200000000e+01;
	v36 =	vcvt.s32.f32 v19;
	v38 =	vcvt.s32.f32 v21;
	v19 =	vld.idx.msk [tilespmem:v19+s13+$0x0], $0xffff  }
0x149: {  	v39 =	vcvt.s32.f32 v23;
	v63 =	vld.idx.msk [tilespmem:v34+s2+$0x0], $0xffff;
	v18 =	vmin.f32 v9, $6.200000000e+01;
	v9 =	vtrunc.f32 v2  }
0x14a: {  	v30 =	vmin.f32 v16, $6.200000000e+01;
	v41 =	vld.idx.msk [tilespmem:v21+s2+$0x0], $0xffff;
	v25 =	vtrunc.f32 v18;
	v33 =	vcvt.f32.s32 v9  }
0x14b: {  	v38 =	vsub.f32 v5, v38;
	v5 =	vld.idx.msk [tilespmem:v21+s13+$0x0], $0xffff;
	v9 =	vcvt.f32.s32 v13;
	v13 =	vcvt.f32.s32 v15  }
0x14c: {  	v36 =	vsub.f32 v3, v36;
	v43 =	vld.idx.msk [tilespmem:v35+s2+$0x0], $0xffff;
	v15 =	vcvt.f32.s32 v31;
	v10 =	vcvt.f32.s32 v25  }
0x14d: {  	v12 =	vcvt.f32.s32 v27;
	v17 =	vadd.f32 v0, v17;
	v0 =	vcvt.s32.f32 v34;
	v25 =	vld.idx.msk [tilespmem:v29+s2+$0x0], $0xffff  }
0x14e: {  	v45 =	vsub.f32 v7, v39;
	v40 =	vcvt.s32.f32 v10;
	v27 =	vld.idx.msk [tilespmem:v29+s13+$0x0], $0xffff;
	v29 =	vcvt.s32.f32 v29  }
0x14f: {  	v3 =	vcvt.s32.f32 v9;
	v34 =	vld.idx.msk [tilespmem:v34+s13+$0x0], $0xffff;
	v0 =	vsub.f32 v4, v0;
	v4 =	vcvt.s32.f32 v11  }
0x150: {  	v7 =	vsub.f32 v18, v40;
	v31 =	vld.idx.msk [tilespmem:v33+s2+$0x0], $0xffff;
	v1 =	vsub.f32 v1, v29;
	v29 =	vcvt.s32.f32 v35  }
0x151: {  	v16 =	vtrunc.f32 v26;
	v42 =	vcvt.s32.f32 v12;
	v62 =	vld.idx.msk [tilespmem:v33+s13+$0x0], $0xffff;
	v4 =	vsub.f32 v20, v4  }
0x152: {  	v32 =	vtrunc.f32 v30;
	v29 =	vsub.f32 v6, v29;
	v6 =	vsub.f32 v8, v3;
	v8 =	vld.idx.msk [tilespmem:v35+s13+$0x0], $0xffff;
	[tilespmem:$0x1FE00] =	vst v7  }
0x153: {  	s28 =	simm.s32 $0x100;
	s29 =	simm.s32 $0x1;
	v14 =	vcvt.f32.s32 v16;
	v21 =	vcvt.s32.f32 v13;
	v18 =	vld.idx.msk [tilespmem:v23+s2+$0x0], $0xffff;
	[tilespmem:$0x1FE10] =	vst v4;
	v4 =	vsub.f32 v22, v42  }
0x154: {  	s7 =	sand.u32 $0xFFFFE000, s28;
	s11 =	sand.u32 $0x3, s29;
	v46 =	vcvt.f32.s32 v32;
	v3 =	vcvt.s32.f32 v15  }
0x155: {  	s6 =	sshll.u32 s11, $0xB;
	s4 =	sadd.s32 $0x20, s7;
	v44 =	vcvt.s32.f32 v14;
	[tilespmem:$0x1FE20] =	vst v4;
	v4 =	vsub.f32 v24, v21  }
0x156: {  	s6 =	sadd.s32 s6, s4;
	v19 =	vsub.f32 v19, v37;
	v40 =	vcvt.s32.f32 v46;
	v3 =	vsub.f32 v28, v3  }
0x157: {  	s26 =	simm.s32 $0x800;
	s4 =	sor.u32 $0x4470, s6;
	v33 =	vcvt.s32.f32 v33;
	v27 =	vsub.f32 v27, v25;
	v20 =	vld.idx.msk [tilespmem:v23+s13+$0x0], $0xffff;
	[tilespmem:$0x1FE30] =	vst v4;
	v4 =	vsub.f32 v26, v44  }
0x158: {  	s31 =	simm.s32 $0x20;
	s30 =	sand.u32 $0x2000, s28;
	s26 =	sand.u32 $0x1800, s26;
	v22 =	vsub.f32 v34, v63;
	v21 =	vld [tilespmem:s4+$0x100];
	[tilespmem:$0x1FE50] =	vst v3;
	v3 =	vsub.f32 v30, v40  }
0x159: {  	s11 =	sand.u32 $0x380, s31;
	s26 =	sor.u32 s26, s30;
	s30 =	sor.u32 $0x4460, s6;
	v2 =	vsub.f32 v2, v33;
	v32 =	vsub.f32 v62, v31;
	v1 =	vmul.f32 v1, v27;
	[tilespmem:$0x1FE40] =	vst v4  }
0x15a: {  	s26 =	sor.u32 s11, s26;
	v19 =	vmul.f32 v36, v19;
	v24 =	vsub.f32 v5, v41;
	v0 =	vmul.f32 v0, v22;
	v23 =	vld [tilespmem:s30+$0x100];
	[tilespmem:$0x1FE60] =	vst v3  }
0x15b: {  	v2 =	vmul.f32 v2, v32;
	v40 =	vadd.f32 v1, v25;
	v1 =	vsub.f32 v8, v43;
	v26 =	vld [tilespmem:s26+$0x4100]  }
0x15c: {  	v22 =	vmul.f32 v38, v24;
	v0 =	vadd.f32 v0, v63;
	v8 =	vld [tilespmem:s26+$0x4110]  }
0x15d: {  	v49 =	vadd.f32 v2, v31;
	v44 =	vadd.f32 v19, v37;
	v1 =	vmul.f32 v29, v1;
	v2 =	vld [tilespmem:s26+$0x4120]  }
0x15e: {  	v19 =	vsub.f32 v20, v18;
	v20 =	vld [tilespmem:s26+$0x4130];
	[tilespmem:$0x1FE90] =	vst v0;
	v0 =	vadd.f32 v22, v41  }
0x15f: {  	v1 =	vadd.f32 v1, v43  }
0x160: {  	[tilespmem:$0x1FEA0] =	vst v0  }
0x161: {  	v21 =	vmul.f32 $3.100000000e+01, v21;
	v0 =	vld [tilespmem:s26+$0x4140];
	[tilespmem:$0x1FEB0] =	vst v1;
	v1 =	vmul.f32 v45, v19;
	_ =	sdelay $0x1  }
0x162: {  	v21 =	vadd.f32 $3.100000000e+01, v21;
	v19 =	vmul.f32 $3.100000000e+01, v26;
	v1 =	vadd.f32 v1, v18  }
0x163: {  	v22 =	vmul.f32 $3.100000000e+01, v23;
	v23 =	vld [tilespmem:s26+$0x4150]  }
0x164: {  	v24 =	vld [tilespmem:s26+$0x4160];
	[tilespmem:$0x1FEC0] =	vst v1;
	v1 =	vadd.f32 $3.100000000e+01, v19;
	v19 =	vmax.f32 v21, $0.0e+00  }
0x165: {  	v19 =	vmin.f32 v19, $6.200000000e+01  }
0x166: {  	v18 =	vld [tilespmem:s26+$0x4170];
	v26 =	vtrunc.f32 v19  }
0x167: {  	v21 =	vld [tilespmem:s26+$0x4500];
	v26 =	vcvt.f32.s32 v26  }
0x168: {  	v25 =	vld [tilespmem:s26+$0x4510]  }
0x169: {  	v27 =	vld [tilespmem:s26+$0x4520]  }
0x16a: {  	v28 =	vld [tilespmem:s26+$0x4530]  }
0x16b: {  	v29 =	vld [tilespmem:s26+$0x4540]  }
0x16c: {  	v3 =	vld.idx.msk [tilespmem:v10+s2+$0x0], $0xffff  }
0x16d: {  	v8 =	vmul.f32 $3.100000000e+01, v8;
	v20 =	vmul.f32 $3.100000000e+01, v20;
	v32 =	vld.idx.msk [tilespmem:v26+s2+$0x0], $0xffff  }
0x16e: {  	v22 =	vadd.f32 $3.100000000e+01, v22;
	v47 =	vld.idx.msk [tilespmem:v26+s13+$0x0], $0xffff  }
0x16f: {  	v8 =	vadd.f32 $3.100000000e+01, v8;
	v20 =	vadd.f32 $3.100000000e+01, v20;
	v45 =	vld.idx.msk [tilespmem:v10+s13+$0x0], $0xffff  }
0x170: {  	v0 =	vmul.f32 $3.100000000e+01, v0;
	v22 =	vmax.f32 v22, $0.0e+00;
	v4 =	vld.idx.msk [tilespmem:v11+s2+$0x0], $0xffff;
	v23 =	vmul.f32 $3.100000000e+01, v23  }
0x171: {  	v5 =	vld.idx.msk [tilespmem:v12+s2+$0x0], $0xffff;
	v24 =	vmul.f32 $3.100000000e+01, v24;
	v30 =	vmax.f32 v8, $0.0e+00;
	v26 =	vcvt.s32.f32 v26  }
0x172: {  	v53 =	vld.idx.msk [tilespmem:v12+s13+$0x0], $0xffff;
	v20 =	vmax.f32 v20, $0.0e+00;
	v50 =	vmin.f32 v22, $6.200000000e+01;
	v0 =	vadd.f32 $3.100000000e+01, v0  }
0x173: {  	v7 =	vld.idx.msk [tilespmem:v13+s2+$0x0], $0xffff;
	v51 =	vmin.f32 v30, $6.200000000e+01;
	v19 =	vsub.f32 v19, v26;
	v26 =	vsub.f32 v47, v32  }
0x174: {  	v58 =	vld.idx.msk [tilespmem:v13+s13+$0x0], $0xffff;
	v52 =	vmin.f32 v20, $6.200000000e+01;
	v8 =	vadd.f32 $3.100000000e+01, v24;
	v28 =	vmul.f32 $3.100000000e+01, v28  }
0x175: {  	v22 =	vld.idx.msk [tilespmem:v9+s13+$0x0], $0xffff;
	v20 =	vtrunc.f32 v50;
	v0 =	vmax.f32 v0, $0.0e+00;
	v19 =	vmul.f32 v19, v26  }
0x176: {  	v30 =	vld.idx.msk [tilespmem:v11+s13+$0x0], $0xffff;
	v29 =	vmul.f32 $3.100000000e+01, v29;
	v31 =	vmax.f32 v8, $0.0e+00;
	v8 =	vadd.f32 $3.100000000e+01, v28  }
0x177: {  	v24 =	vld [tilespmem:s26+$0x4550];
	v60 =	vcvt.f32.s32 v20;
	v55 =	vmin.f32 v0, $6.200000000e+01;
	v0 =	vadd.f32 v19, v32  }
0x178: {  	v23 =	vadd.f32 $3.100000000e+01, v23;
	v28 =	vadd.f32 $3.100000000e+01, v29;
	v29 =	vmax.f32 v8, $0.0e+00;
	v8 =	vld.idx.msk [tilespmem:v9+s2+$0x0], $0xffff  }
0x179: {  	v25 =	vmul.f32 $3.100000000e+01, v25;
	v9 =	vld.idx.msk [tilespmem:v14+s2+$0x0], $0xffff;
	[tilespmem:$0x1FED0] =	vst v0  }
0x17a: {  	v23 =	vmax.f32 v23, $0.0e+00;
	v63 =	vld.idx.msk [tilespmem:v14+s13+$0x0], $0xffff  }
0x17b: {  	v36 =	vmin.f32 v23, $6.200000000e+01;
	v25 =	vadd.f32 $3.100000000e+01, v25;
	v10 =	vld.idx.msk [tilespmem:v15+s2+$0x0], $0xffff  }
0x17c: {  	v43 =	vtrunc.f32 v36;
	v16 =	vld.idx.msk [tilespmem:v15+s13+$0x0], $0xffff  }
0x17d: {  	v41 =	vcvt.f32.s32 v43;
	v25 =	vmax.f32 v25, $0.0e+00;
	v28 =	vmax.f32 v28, $0.0e+00;
	v43 =	vld.idx.msk [tilespmem:v60+s2+$0x0], $0xffff;
	[tilespmem:$0x1FE70] =	vst v7  }
0x17e: {  	v33 =	vmin.f32 v25, $6.200000000e+01;
	v25 =	vmin.f32 v28, $6.200000000e+01;
	v28 =	vsub.f32 v53, v5;
	v53 =	vld.idx.msk [tilespmem:v60+s13+$0x0], $0xffff  }
0x17f: {  	v11 =	vmov v3;
	v45 =	vsub.f32 v45, v3;
	v3 =	vld.idx.msk [tilespmem:v46+s2+$0x0], $0xffff;
	[tilespmem:$0x1FE80] =	vst v9  }
0x180: {  	[tilespmem:s3+$0x8100] =	vst v17  }
0x181: {  	[tilespmem:s0+$0x8100] =	vst v40  }
0x182: {  	v2 =	vmul.f32 $3.100000000e+01, v2;
	[tilespmem:s25+$0xC100] =	vst v49  }
0x183: {  	v37 =	vtrunc.f32 v52;
	[tilespmem:s25+$0xC110] =	vst v44  }
0x184: {  	v2 =	vadd.f32 $3.100000000e+01, v2;
	v42 =	vcvt.f32.s32 v37;
	v12 =	vmovc v4;
	v37 =	vsub.f32 v30, v4;
	v4 =	vld [tilespmem:$0x1FE90]  }
0x185: {  	v1 =	vmax.f32 v1, $0.0e+00;
	v18 =	vmul.f32 $3.100000000e+01, v18  }
0x186: {  	v2 =	vmax.f32 v2, $0.0e+00;
	v38 =	vmin.f32 v1, $6.200000000e+01;
	v21 =	vmul.f32 $3.100000000e+01, v21  }
0x187: {  	v35 =	vmin.f32 v31, $6.200000000e+01;
	v23 =	vtrunc.f32 v51;
	v18 =	vadd.f32 $3.100000000e+01, v18  }
0x188: {  	v21 =	vadd.f32 $3.100000000e+01, v21;
	v54 =	vtrunc.f32 v35;
	v1 =	vcvt.f32.s32 v23  }
0x189: {  	v39 =	vmin.f32 v2, $6.200000000e+01;
	v23 =	vcvt.f32.s32 v54;
	v18 =	vmax.f32 v18, $0.0e+00;
	[tilespmem:s25+$0xC120] =	vst v4  }
0x18a: {  	v21 =	vmax.f32 v21, $0.0e+00;
	v54 =	vcvt.s32.f32 v1;
	v34 =	vmin.f32 v18, $6.200000000e+01;
	v4 =	vld [tilespmem:$0x1FEA0]  }
0x18b: {  	v18 =	vtrunc.f32 v38;
	v31 =	vmin.f32 v21, $6.200000000e+01;
	v21 =	vtrunc.f32 v39;
	v46 =	vld.idx.msk [tilespmem:v46+s13+$0x0], $0xffff  }
0x18c: {  	v2 =	vcvt.f32.s32 v21;
	v0 =	vcvt.f32.s32 v18  }
0x18d: {  	v56 =	vtrunc.f32 v34;
	v57 =	vtrunc.f32 v33  }
0x18e: {  	v20 =	vcvt.f32.s32 v57;
	v57 =	vcvt.s32.f32 v0  }
0x18f: {  	v47 =	vsub.f32 v22, v8;
	v22 =	vcvt.f32.s32 v56;
	v26 =	vmin.f32 v29, $6.200000000e+01;
	[tilespmem:s25+$0xC130] =	vst v4  }
0x190: {  	v61 =	vtrunc.f32 v26;
	v56 =	vsub.f32 v38, v57;
	v14 =	vmovc v3;
	v38 =	vsub.f32 v46, v3;
	v3 =	vld [tilespmem:$0x1FEB0]  }
0x191: {  	v18 =	vcvt.f32.s32 v61;
	v61 =	vcvt.s32.f32 v60  }
0x192: {  	v27 =	vmul.f32 $3.100000000e+01, v27;
	v54 =	vsub.f32 v51, v54;
	v32 =	vsub.f32 v58, v7;
	v58 =	vld.idx.msk [tilespmem:v2+s13+$0x0], $0xffff  }
0x193: {  	v50 =	vsub.f32 v50, v61;
	v40 =	vld.idx.msk [tilespmem:v0+s2+$0x0], $0xffff;
	v51 =	vsub.f32 v53, v43  }
0x194: {  	v27 =	vadd.f32 $3.100000000e+01, v27;
	v60 =	vld.idx.msk [tilespmem:v0+s13+$0x0], $0xffff  }
0x195: {  	v46 =	vmul.f32 v50, v51;
	v50 =	vld.idx.msk [tilespmem:v2+s2+$0x0], $0xffff;
	[tilespmem:s25+$0xC140] =	vst v3  }
0x196: {  	v48 =	vtrunc.f32 v55;
	v27 =	vmax.f32 v27, $0.0e+00;
	v0 =	vcvt.s32.f32 v2;
	v2 =	vld [tilespmem:$0x1FEC0]  }
0x197: {  	v48 =	vcvt.f32.s32 v48;
	v24 =	vmul.f32 $3.100000000e+01, v24;
	v27 =	vmin.f32 v27, $6.200000000e+01  }
0x198: {  	v59 =	vtrunc.f32 v27;
	v29 =	vtrunc.f32 v31  }
0x199: {  	v24 =	vadd.f32 $3.100000000e+01, v24;
	v62 =	vtrunc.f32 v25;
	v21 =	vcvt.f32.s32 v29  }
0x19a: {  	v19 =	vcvt.f32.s32 v59;
	v59 =	vcvt.s32.f32 v48;
	v49 =	vld.idx.msk [tilespmem:v1+s2+$0x0], $0xffff  }
0x19b: {  	v24 =	vmax.f32 v24, $0.0e+00;
	v17 =	vcvt.f32.s32 v62;
	v61 =	vld.idx.msk [tilespmem:v1+s13+$0x0], $0xffff;
	v1 =	vcvt.s32.f32 v23;
	[tilespmem:s25+$0xC150] =	vst v2  }
0x19c: {  	v24 =	vmin.f32 v24, $6.200000000e+01;
	v62 =	vcvt.s32.f32 v21;
	v57 =	vcvt.s32.f32 v42;
	v2 =	vld [tilespmem:$0x1FED0]  }
0x19d: {  	v30 =	vsub.f32 v63, v9;
	v63 =	vtrunc.f32 v24;
	v29 =	vsub.f32 v16, v10  }
0x19e: {  	v16 =	vcvt.f32.s32 v63;
	v63 =	vcvt.s32.f32 v22;
	v53 =	vsub.f32 v52, v57  }
0x19f: {  	v57 =	vcvt.s32.f32 v18;
	v44 =	vsub.f32 v39, v0;
	v0 =	vcvt.s32.f32 v41  }
0x1a0: {  	v13 =	vmovc v5;
	v52 =	vld.idx.msk [tilespmem:v42+s2+$0x0], $0xffff;
	v39 =	vcvt.s32.f32 v20;
	v51 =	vsub.f32 v55, v59;
	v59 =	vcvt.s32.f32 v19  }
0x1a1: {  	s0 =	simm.s32 $0x10;
	s3 =	simm.s32 $0x1000;
	v15 =	vmovc v10;
	v55 =	vcvt.s32.f32 v17;
	[tilespmem:s4+$0x8100] =	vst v2;
	v2 =	vsub.f32 v60, v40;
	v60 =	vld.idx.msk [tilespmem:v42+s13+$0x0], $0xffff;
	v42 =	vcvt.s32.f32 v16  }
.LBB2_9:
0x1a2: {  	v4 =	vld [tilespmem:$0x1FE00];
	_ =	sdelay $0x4  }
0x1a3: {  	v33 =	vsub.f32 v33, v39;
	v39 =	vmul.f32 v4, v45;
	v4 =	vld [tilespmem:$0x1FE10];
	_ =	sdelay $0x2  }
0x1a4: {  	v34 =	vsub.f32 v34, v63  }
0x1a5: {  	v0 =	vsub.f32 v36, v0;
	v36 =	vmul.f32 v6, v47;
	v47 =	vld.idx.msk [tilespmem:v41+s2+$0x0], $0xffff  }
0x1a6: {  	v45 =	vld.idx.msk [tilespmem:v41+s13+$0x0], $0xffff;
	v41 =	vmul.f32 v4, v37;
	v4 =	vmov v34  }
0x1a7: {  	[tilespmem:$0x1FE00] =	vst v4;
	v4 =	vld [tilespmem:$0x1FE20];
	_ =	sdelay $0x4  }
0x1a8: {  	s28 =	sadd.s32 $0x100, s28;
	s29 =	sadd.s32 $0x1, s29;
	v31 =	vsub.f32 v31, v62;
	v62 =	vadd.f32 v46, v43;
	v46 =	vmul.f32 v4, v28;
	v4 =	vld [tilespmem:$0x1FE30]  }
0x1a9: {  	s31 =	sadd.s32 $0x20, s31;
	s6 =	sand.u32 $0xFFFFE000, s28;
	s11 =	sand.u32 $0x3, s29  }
0x1aa: {  	v3 =	vld.idx.msk [tilespmem:v48+s2+$0x0], $0xffff;
	v1 =	vsub.f32 v35, v1;
	s6 =	sadd.s32 s6, s31;
	s11 =	sshll.u32 s11, $0xB  }
0x1ab: {  	v35 =	vld.idx.msk [tilespmem:v48+s13+$0x0], $0xffff;
	s11 =	sadd.s32 s11, s6  }
0x1ac: {  	[tilespmem:$0x1FDF0] =	vst v1;
	v1 =	vmul.f32 v56, v2;
	s6 =	sor.u32 $0x4470, s11  }
0x1ad: {  	s4 =	sand.u32 $0x1800, s3;
	s7 =	sand.u32 $0x2000, s28;
	v2 =	vsub.f32 v61, v49;
	v7 =	vsub.f32 v58, v50;
	v58 =	vld [tilespmem:s6+$0x100];
	v43 =	vmul.f32 v4, v32;
	v4 =	vmovc v31  }
0x1ae: {  	s4 =	sor.u32 s4, s7;
	s7 =	sand.u32 $0x380, s31;
	[tilespmem:$0x1FE10] =	vst v4;
	v4 =	vld [tilespmem:$0x1FE40]  }
0x1af: {  	v48 =	vld.idx.msk [tilespmem:v23+s2+$0x0], $0xffff;
	v26 =	vsub.f32 v26, v57;
	s4 =	sor.u32 s7, s4;
	v2 =	vmul.f32 v54, v2  }
0x1b0: {  	s11 =	sor.u32 $0x4460, s11;
	v60 =	vsub.f32 v60, v52;
	v63 =	vsub.f32 v35, v3;
	v28 =	vld [tilespmem:s4+$0x4100]  }
0x1b1: {  	v27 =	vsub.f32 v27, v59;
	v61 =	vld [tilespmem:s11+$0x100];
	v59 =	vmul.f32 v44, v7;
	v2 =	vadd.f32 v2, v49  }
0x1b2: {  	v25 =	vsub.f32 v25, v55;
	v6 =	vmovc v26;
	v26 =	vld [tilespmem:s4+$0x4140];
	v5 =	vmul.f32 v51, v63;
	v31 =	vmul.f32 v53, v60  }
0x1b3: {  	v53 =	vmul.f32 $3.100000000e+01, v58;
	v44 =	vmul.f32 v4, v30;
	v4 =	vmov v33;
	v30 =	vld [tilespmem:s4+$0x4110];
	[tilespmem:s26+$0xC110] =	vst v2  }
0x1b4: {  	v1 =	vadd.f32 v1, v40;
	v2 =	vadd.f32 v5, v3;
	v3 =	vmov v25;
	[tilespmem:$0x1FE20] =	vst v4;
	v4 =	vld [tilespmem:$0x1FE50]  }
0x1b5: {  	v57 =	vld [tilespmem:s4+$0x4530];
	[tilespmem:$0x1FE50] =	vst v3;
	v3 =	vmul.f32 $3.100000000e+01, v28;
	v28 =	vadd.f32 $3.100000000e+01, v53  }
0x1b6: {  	v51 =	vsub.f32 v45, v47;
	v34 =	vmul.f32 $3.100000000e+01, v61;
	[tilespmem:s26+$0xC100] =	vst v1;
	v1 =	vadd.f32 v59, v50;
	v59 =	vld [tilespmem:s4+$0x4550]  }
0x1b7: {  	v24 =	vsub.f32 v24, v42;
	v26 =	vmul.f32 $3.100000000e+01, v26;
	v50 =	vld.idx.msk [tilespmem:v20+s2+$0x0], $0xffff;
	v28 =	vmax.f32 v28, $0.0e+00  }
0x1b8: {  	v0 =	vmul.f32 v0, v51;
	v55 =	vadd.f32 $3.100000000e+01, v34;
	v58 =	vld [tilespmem:s4+$0x4540];
	v28 =	vmin.f32 v28, $6.200000000e+01  }
0x1b9: {  	v26 =	vadd.f32 $3.100000000e+01, v26;
	v56 =	vtrunc.f32 v28;
	v42 =	vmul.f32 v4, v29;
	v4 =	vld [tilespmem:$0x1FE60]  }
0x1ba: {  	v34 =	vmul.f32 $3.100000000e+01, v57;
	v32 =	vmax.f32 v55, $0.0e+00;
	v55 =	vld.idx.msk [tilespmem:v19+s2+$0x0], $0xffff;
	v33 =	vcvt.f32.s32 v56  }
0x1bb: {  	v26 =	vmax.f32 v26, $0.0e+00;
	v0 =	vadd.f32 v0, v47;
	v29 =	vld [tilespmem:s4+$0x4120]  }
0x1bc: {  	v34 =	vadd.f32 $3.100000000e+01, v34;
	v51 =	vmin.f32 v26, $6.200000000e+01;
	[tilespmem:s26+$0xC120] =	vst v1;
	v1 =	vadd.f32 v36, v8;
	v8 =	vmovc v48;
	v48 =	vld.idx.msk [tilespmem:v22+s2+$0x0], $0xffff  }
0x1bd: {  	v31 =	vadd.f32 v31, v52;
	v35 =	vmul.f32 $3.100000000e+01, v58;
	v36 =	vmul.f32 $3.100000000e+01, v59;
	v22 =	vld.idx.msk [tilespmem:v22+s13+$0x0], $0xffff  }
0x1be: {  	v61 =	vmax.f32 v34, $0.0e+00;
	v3 =	vadd.f32 $3.100000000e+01, v3;
	v40 =	vmul.f32 v4, v38;
	v4 =	vmovc v27;
	v27 =	vld [tilespmem:s4+$0x4130]  }
0x1bf: {  	v26 =	vmin.f32 v61, $6.200000000e+01;
	v35 =	vadd.f32 $3.100000000e+01, v35;
	v36 =	vadd.f32 $3.100000000e+01, v36;
	[tilespmem:s26+$0xC130] =	vst v31;
	v31 =	vld [tilespmem:s4+$0x4170]  }
0x1c0: {  	[tilespmem:s30+$0x8100] =	vst v62;
	v54 =	vmin.f32 v32, $6.200000000e+01;
	v3 =	vmax.f32 v3, $0.0e+00;
	v29 =	vmul.f32 $3.100000000e+01, v29;
	v37 =	vld.idx.msk [tilespmem:v33+s2+$0x0], $0xffff  }
0x1c1: {  	[tilespmem:$0x1FE40] =	vst v6;
	v62 =	vmax.f32 v35, $0.0e+00;
	v3 =	vmin.f32 v3, $6.200000000e+01;
	v63 =	vmax.f32 v36, $0.0e+00;
	v60 =	vld.idx.msk [tilespmem:v33+s13+$0x0], $0xffff  }
0x1c2: {  	v25 =	vld [tilespmem:s4+$0x4150];
	[tilespmem:s26+$0xC150] =	vst v0;
	v38 =	vtrunc.f32 v3;
	v33 =	vcvt.s32.f32 v33;
	v0 =	vadd.f32 $3.100000000e+01, v29  }
0x1c3: {  	v45 =	vsub.f32 v22, v48;
	v22 =	vtrunc.f32 v51;
	[tilespmem:$0x1FE30] =	vst v4;
	v29 =	vld [tilespmem:s4+$0x4510];
	v4 =	vmovc v24;
	v24 =	vmul.f32 $3.100000000e+01, v30  }
0x1c4: {  	v6 =	vcvt.f32.s32 v38;
	v30 =	vld [tilespmem:s4+$0x4160];
	[tilespmem:s25+$0xC160] =	vst v1;
	v28 =	vsub.f32 v28, v33;
	v0 =	vmax.f32 v0, $0.0e+00  }
0x1c5: {  	[tilespmem:s26+$0xC140] =	vst v2;
	v23 =	vld.idx.msk [tilespmem:v23+s13+$0x0], $0xffff;
	v2 =	vadd.f32 $3.100000000e+01, v24;
	v24 =	vmul.f32 $3.100000000e+01, v27;
	v31 =	vmul.f32 $3.100000000e+01, v31  }
0x1c6: {  	v57 =	vmin.f32 v0, $6.200000000e+01;
	v0 =	vld.idx.msk [tilespmem:v19+s13+$0x0], $0xffff;
	v19 =	vtrunc.f32 v54;
	v60 =	vsub.f32 v60, v37  }
0x1c7: {  	v27 =	vld [tilespmem:s4+$0x4500];
	v7 =	vcvt.f32.s32 v19;
	v1 =	vadd.f32 $3.100000000e+01, v24;
	v24 =	vmul.f32 $3.100000000e+01, v25  }
0x1c8: {  	v20 =	vld.idx.msk [tilespmem:v20+s13+$0x0], $0xffff;
	v2 =	vmax.f32 v2, $0.0e+00;
	v31 =	vadd.f32 $3.100000000e+01, v31;
	v29 =	vmul.f32 $3.100000000e+01, v29  }
0x1c9: {  	v49 =	vld.idx.msk [tilespmem:v21+s2+$0x0], $0xffff;
	v30 =	vmul.f32 $3.100000000e+01, v30;
	v2 =	vmin.f32 v2, $6.200000000e+01;
	v24 =	vadd.f32 $3.100000000e+01, v24  }
0x1ca: {  	v21 =	vld.idx.msk [tilespmem:v21+s13+$0x0], $0xffff;
	v1 =	vmax.f32 v1, $0.0e+00;
	v29 =	vadd.f32 $3.100000000e+01, v29;
	v31 =	vmax.f32 v31, $0.0e+00  }
0x1cb: {  	v25 =	vld [tilespmem:s4+$0x4520];
	v53 =	vtrunc.f32 v2;
	v47 =	vsub.f32 v23, v8;
	v23 =	vtrunc.f32 v57  }
0x1cc: {  	v58 =	vld.idx.msk [tilespmem:v17+s2+$0x0], $0xffff;
	v30 =	vadd.f32 $3.100000000e+01, v30;
	v27 =	vmul.f32 $3.100000000e+01, v27;
	v52 =	vmin.f32 v1, $6.200000000e+01  }
0x1cd: {  	v17 =	vld.idx.msk [tilespmem:v17+s13+$0x0], $0xffff;
	v1 =	vmul.f32 v28, v60;
	v34 =	vmin.f32 v31, $6.200000000e+01;
	v28 =	vsub.f32 v20, v50  }
0x1ce: {  	v56 =	vld.idx.msk [tilespmem:v18+s2+$0x0], $0xffff;
	v53 =	vcvt.f32.s32 v53;
	v9 =	vcvt.f32.s32 v23;
	v24 =	vmax.f32 v24, $0.0e+00  }
0x1cf: {  	v18 =	vld.idx.msk [tilespmem:v18+s13+$0x0], $0xffff;
	v29 =	vmax.f32 v29, $0.0e+00;
	v59 =	vtrunc.f32 v52;
	v61 =	vtrunc.f32 v34  }
0x1d0: {  	v27 =	vadd.f32 $3.100000000e+01, v27;
	v25 =	vmul.f32 $3.100000000e+01, v25;
	v30 =	vmax.f32 v30, $0.0e+00  }
0x1d1: {  	v36 =	vmin.f32 v24, $6.200000000e+01;
	v33 =	vmin.f32 v29, $6.200000000e+01;
	v1 =	vadd.f32 v1, v37  }
0x1d2: {  	v24 =	vmin.f32 v63, $6.200000000e+01;
	v37 =	vsub.f32 v21, v49;
	v63 =	vtrunc.f32 v26  }
0x1d3: {  	v29 =	vsub.f32 v17, v58;
	v10 =	vcvt.f32.s32 v59;
	v17 =	vadd.f32 v41, v12  }
0x1d4: {  	v35 =	vmin.f32 v30, $6.200000000e+01;
	v60 =	vtrunc.f32 v36;
	v30 =	vsub.f32 v18, v56  }
0x1d5: {  	v5 =	vtrunc.f32 v24;
	v18 =	vadd.f32 v46, v13;
	v25 =	vadd.f32 $3.100000000e+01, v25;
	[tilespmem:s6+$0x8100] =	vst v1;
	v1 =	vld.idx.msk [tilespmem:v16+s2+$0x0], $0xffff  }
0x1d6: {  	v27 =	vmax.f32 v27, $0.0e+00;
	v16 =	vld.idx.msk [tilespmem:v16+s13+$0x0], $0xffff;
	v21 =	vtrunc.f32 v35;
	v41 =	vcvt.f32.s32 v60;
	[tilespmem:s25+$0xC500] =	vst v17  }
0x1d7: {  	v17 =	vld [tilespmem:$0x1FE70];
	v31 =	vmin.f32 v27, $6.200000000e+01;
	v23 =	vcvt.f32.s32 v21;
	[tilespmem:s25+$0xC510] =	vst v18;
	v18 =	vcvt.f32.s32 v63  }
0x1d8: {  	v63 =	vcvt.s32.f32 v53;
	v25 =	vmax.f32 v25, $0.0e+00;
	v20 =	vtrunc.f32 v31  }
0x1d9: {  	v27 =	vmin.f32 v25, $6.200000000e+01;
	v25 =	vmin.f32 v62, $6.200000000e+01;
	v62 =	vtrunc.f32 v33  }
0x1da: {  	v32 =	vsub.f32 v0, v55;
	v21 =	vcvt.f32.s32 v20;
	v0 =	vtrunc.f32 v27  }
0x1db: {  	v38 =	vsub.f32 v16, v1;
	v16 =	vadd.f32 v39, v11;
	v19 =	vcvt.f32.s32 v0;
	v0 =	vld [tilespmem:$0x1FE80]  }
0x1dc: {  	[tilespmem:$0x1FE60] =	vst v4;
	v11 =	vmovc v48;
	v48 =	vcvt.f32.s32 v22;
	v22 =	vcvt.f32.s32 v61;
	v61 =	vadd.f32 v43, v17;
	v17 =	vmovc v55  }
0x1dd: {  	v12 =	vmov v49;
	v49 =	vld.idx.msk [tilespmem:v53+s2+$0x0], $0xffff;
	v4 =	vtrunc.f32 v25;
	v20 =	vcvt.f32.s32 v62;
	[tilespmem:$0x1FE70] =	vst v17  }
0x1de: {  	v43 =	vld.idx.msk [tilespmem:v7+s2+$0x0], $0xffff;
	v62 =	vcvt.s32.f32 v21;
	v17 =	vcvt.f32.s32 v4;
	[tilespmem:s25+$0xC170] =	vst v16  }
0x1df: {  	v4 =	vadd.f32 v42, v15;
	v42 =	vcvt.s32.f32 v10;
	v39 =	vcvt.s32.f32 v20;
	[tilespmem:s25+$0xC520] =	vst v61;
	v61 =	vld.idx.msk [tilespmem:v53+s13+$0x0], $0xffff;
	v16 =	vmovc v56  }
0x1e0: {  	v0 =	vadd.f32 v44, v0;
	[tilespmem:$0x1FE80] =	vst v16;
	v16 =	vcvt.f32.s32 v5;
	v5 =	vcvt.s32.f32 v7;
	v7 =	vld.idx.msk [tilespmem:v7+s13+$0x0], $0xffff  }
0x1e1: {  	s0 =	sadd.s32 $0x10, s0;
	v59 =	vcvt.s32.f32 v19;
	[tilespmem:s25+$0xC540] =	vst v4;
	v4 =	vld.idx.msk [tilespmem:v6+s13+$0x0], $0xffff;
	v53 =	vsub.f32 v52, v42;
	v55 =	vcvt.s32.f32 v17  }
0x1e2: {  	p0 =	slt.u32 s0, $0x3F0;
	[tilespmem:s25+$0xC530] =	vst v0;
	v0 =	vadd.f32 v40, v14;
	v14 =	vmovc v1;
	v1 =	vcvt.s32.f32 v6;
	v40 =	vld.idx.msk [tilespmem:v6+s2+$0x0], $0xffff;
	v6 =	vcvt.s32.f32 v9  }
.Ltmp4:
0x1e3: {  	v13 =	vmovc v50;
	v50 =	vld.idx.msk [tilespmem:v9+s2+$0x0], $0xffff;
	v5 =	vsub.f32 v54, v5;
	v54 =	vsub.f32 v2, v63;
	v63 =	vcvt.s32.f32 v22;
	(pc) =	sbr.rel @p0 .LBB2_9-.Ltmp4, $4  }
0x1e4: {  	v60 =	vld.idx.msk [tilespmem:v10+s13+$0x0], $0xffff;
	v15 =	vmovc v58;
	v42 =	vcvt.s32.f32 v16;
	v56 =	vsub.f32 v3, v1;
	v3 =	vcvt.s32.f32 v48  }
0x1e5: {  	v58 =	vld.idx.msk [tilespmem:v9+s13+$0x0], $0xffff;
	[tilespmem:s25+$0xC550] =	vst v0;
	v0 =	vcvt.s32.f32 v41;
	v44 =	vsub.f32 v57, v6;
	v6 =	vsub.f32 v7, v43  }
0x1e6: {  	s3 =	sadd.s32 $0x800, s3;
	v52 =	vld.idx.msk [tilespmem:v10+s2+$0x0], $0xffff;
	v1 =	vcvt.s32.f32 v23;
	v57 =	vcvt.s32.f32 v18  }
0x1e7: {  	s30 =	smov.u32 s11;
	s25 =	smov.u32 s26;
	s26 =	smov.u32 s4;
	v51 =	vsub.f32 v51, v3;
	v2 =	vsub.f32 v4, v40;
	v46 =	vmul.f32 v5, v6;
	v6 =	vld [tilespmem:$0x1FDF0]  }
0x1e8: {  	_ =	sdelay $0x3  }
0x1e9: {  	v3 =	vld.idx.msk [tilespmem:v48+s2+$0x0], $0xffff  }
0x1ea: {  	v4 =	vld.idx.msk [tilespmem:v48+s13+$0x0], $0xffff  }
0x1eb: {  	v7 =	vld.idx.msk [tilespmem:v41+s2+$0x0], $0xffff  }
0x1ec: {  	v5 =	vmul.f32 v6, v47;
	v6 =	vsub.f32 v34, v63;
	v63 =	vld.idx.msk [tilespmem:v41+s13+$0x0], $0xffff  }
0x1ed: {  	v41 =	vld [tilespmem:$0x1FE00]  }
0x1ee: {  	v0 =	vsub.f32 v36, v0;
	v1 =	vsub.f32 v35, v1;
	v36 =	vld.idx.msk [tilespmem:v23+s2+$0x0], $0xffff  }
0x1ef: {  	v9 =	vsub.f32 v31, v62;
	v27 =	vsub.f32 v27, v59;
	v59 =	vld.idx.msk [tilespmem:v21+s13+$0x0], $0xffff  }
0x1f0: {  	v10 =	vsub.f32 v61, v49;
	v33 =	vsub.f32 v33, v39;
	v61 =	vld.idx.msk [tilespmem:v20+s2+$0x0], $0xffff  }
0x1f1: {  	v26 =	vsub.f32 v26, v57;
	v2 =	vmul.f32 v56, v2;
	v48 =	vadd.f32 v46, v43;
	v56 =	vld.idx.msk [tilespmem:v22+s13+$0x0], $0xffff  }
0x1f2: {  	v10 =	vmul.f32 v54, v10;
	v54 =	vld.idx.msk [tilespmem:v23+s13+$0x0], $0xffff;
	v34 =	vmul.f32 v41, v45;
	v45 =	vsub.f32 v58, v50  }
0x1f3: {  	v2 =	vadd.f32 v2, v40;
	v40 =	vld.idx.msk [tilespmem:v22+s2+$0x0], $0xffff;
	v47 =	vsub.f32 v60, v52  }
0x1f4: {  	v10 =	vadd.f32 v10, v49;
	v49 =	vld.idx.msk [tilespmem:v17+s2+$0x0], $0xffff;
	v4 =	vsub.f32 v4, v3;
	v35 =	vmul.f32 v44, v45  }
0x1f5: {  	[tilespmem:s30+$0x8100] =	vst v48;
	v60 =	vsub.f32 v25, v55;
	v55 =	vld.idx.msk [tilespmem:v16+s13+$0x0], $0xffff;
	v39 =	vmul.f32 v53, v47  }
0x1f6: {  	[tilespmem:s26+$0xC100] =	vst v2;
	v47 =	vld.idx.msk [tilespmem:v18+s13+$0x0], $0xffff;
	v4 =	vmul.f32 v51, v4;
	v57 =	vadd.f32 v35, v50  }
0x1f7: {  	[tilespmem:s26+$0xC110] =	vst v10;
	v51 =	vld.idx.msk [tilespmem:v17+s13+$0x0], $0xffff;
	v39 =	vadd.f32 v39, v52;
	v52 =	vsub.f32 v54, v36  }
0x1f8: {  	v54 =	vld.idx.msk [tilespmem:v16+s2+$0x0], $0xffff;
	v31 =	vsub.f32 v63, v7;
	v3 =	vadd.f32 v4, v3;
	[tilespmem:s26+$0xC120] =	vst v57  }
0x1f9: {  	v62 =	vld [tilespmem:$0x1FE10];
	[tilespmem:s26+$0xC130] =	vst v39  }
0x1fa: {  	v58 =	vld.idx.msk [tilespmem:v21+s2+$0x0], $0xffff;
	v0 =	vmul.f32 v0, v31;
	[tilespmem:s26+$0xC140] =	vst v3  }
0x1fb: {  	v39 =	vld [tilespmem:$0x1FE20]  }
0x1fc: {  	v63 =	vld.idx.msk [tilespmem:v20+s13+$0x0], $0xffff;
	v0 =	vadd.f32 v0, v7  }
0x1fd: {  	v5 =	vadd.f32 v5, v8;
	v31 =	vsub.f32 v24, v42;
	v42 =	vld.idx.msk [tilespmem:v19+s13+$0x0], $0xffff  }
0x1fe: {  	v41 =	vadd.f32 v34, v11;
	v44 =	vld.idx.msk [tilespmem:v18+s2+$0x0], $0xffff;
	[tilespmem:s26+$0xC150] =	vst v0;
	v4 =	vmul.f32 v62, v37  }
0x1ff: {  	v22 =	vsub.f32 v56, v40;
	v43 =	vld [tilespmem:$0x1FE30];
	[tilespmem:s25+$0xC160] =	vst v5  }
0x200: {  	v45 =	vld [tilespmem:$0x1FE40];
	[tilespmem:s25+$0xC170] =	vst v41;
	v8 =	vmul.f32 v39, v28;
	v4 =	vadd.f32 v4, v12  }
0x201: {  	v1 =	vmul.f32 v1, v52;
	v6 =	vmul.f32 v6, v22;
	v10 =	vsub.f32 v59, v58;
	v48 =	vld [tilespmem:$0x1FE50]  }
0x202: {  	v7 =	vsub.f32 v63, v61;
	v37 =	vld.idx.msk [tilespmem:v19+s2+$0x0], $0xffff;
	v46 =	vadd.f32 v8, v13;
	[tilespmem:s25+$0xC500] =	vst v4  }
0x203: {  	v1 =	vadd.f32 v1, v36;
	v9 =	vmul.f32 v9, v10;
	v0 =	vsub.f32 v51, v49;
	v4 =	vld [tilespmem:$0x1FE70]  }
0x204: {  	v6 =	vadd.f32 v6, v40;
	v59 =	vsub.f32 v55, v54;
	v7 =	vmul.f32 v33, v7;
	v50 =	vld [tilespmem:$0x1FE60];
	[tilespmem:s25+$0xC510] =	vst v46  }
0x205: {  	v58 =	vadd.f32 v9, v58;
	v0 =	vmul.f32 v60, v0;
	v53 =	vld [tilespmem:$0x1FE80];
	[tilespmem:s26+$0xC160] =	vst v1  }
0x206: {  	v2 =	vadd.f32 v7, v61;
	v61 =	vmul.f32 v31, v59;
	v8 =	vsub.f32 v47, v44;
	[tilespmem:s26+$0xC170] =	vst v6  }
0x207: {  	v0 =	vadd.f32 v0, v49;
	v11 =	vmul.f32 v48, v29;
	v57 =	vsub.f32 v42, v37;
	[tilespmem:s26+$0xC500] =	vst v58  }
0x208: {  	v63 =	vadd.f32 v61, v54;
	v8 =	vmul.f32 v26, v8;
	[tilespmem:s26+$0xC510] =	vst v2  }
0x209: {  	v11 =	vadd.f32 v11, v15;
	[tilespmem:s26+$0xC540] =	vst v0;
	v10 =	vmul.f32 v27, v57  }
0x20a: {  	v24 =	vmul.f32 v43, v32;
	[tilespmem:s26+$0xC550] =	vst v63;
	v62 =	vadd.f32 v8, v44  }
0x20b: {  	s23 =	sadd.s32 $0x1, s23;
	v25 =	vmul.f32 v45, v30;
	[tilespmem:s25+$0xC540] =	vst v11;
	v60 =	vadd.f32 v10, v37  }
0x20c: {  	p0 =	sne.s32 s23, $0x10;
	[tilespmem:s26+$0xC530] =	vst v62;
	v4 =	vadd.f32 v24, v4;
	v18 =	vmul.f32 v50, v38  }
.Ltmp5:
0x20d: {  	v13 =	vadd.f32 v25, v53;
	[tilespmem:s26+$0xC520] =	vst v60;
	(pc) =	sbr.rel @p0 .LBB2_2-.Ltmp5, $4  }
0x20e: {  	[tilespmem:s25+$0xC520] =	vst v4;
	v56 =	vadd.f32 v18, v14  }
0x20f: {  	[tilespmem:s25+$0xC530] =	vst v13  }
0x210: {  	s0 =	sadd.s32 s5, s24;
	[tilespmem:s25+$0xC550] =	vst v56  }
0x211: {  	[hbm4b:s0+s2] =	stream.linear.scatter [tilespmem:s20], [sflag:$0x4], $0x4000, $0x38;
	[tilespmem:$0x10100] =	vst v63  }
0x212: {  	_ =	swait.ge [sflag:s21], $0x4000  }
0x213: {  	[sflag:s21] =	ssyncset.done $0x0  }
0x214: {  	[sflag:s21] =	ssyncadd.s32 $0xFFFFC000  }
0x215: {  	_ =	swait.ge [sflag:s19], $0x4000  }
0x216: {  	s22 =	sadd.s32 $0x1, s22;
	s0 =	rddreg [dreg:$0x6]  }
0x217: {  	p0 =	sne.s32 s22, s0  }
.Ltmp6:
0x218: {  	_ = 	snop;
	(pc) =	sbr.rel @p0 .LBB2_1-.Ltmp6, $3  }
0x219: {  	_ =	sdelay $0x1  }
0x21a: {  	[sflag:s19] =	ssyncset.done $0x0  }
0x21b: {  	[sflag:s19] =	ssyncadd.s32 $0xFFFFC000  }
0x21c: {  	_ =	sfence.sel $0x180000  }
0x21d: {  	[bflag:$0x0] =	sbarrier.arrive $0xFFFF  }
0x21e: {  	_ =	strace $0x90000047  }
0x21f: {  	s0 =	stileid.u32;
	[bflag:$0x2] =	sbarrier.arrive $0xFFFF  }
0x220: {  	p0 =	sne.s32 s0, $0x0;
	s0 =	rddreg [dreg:$0x2]  }
0x221: {  	s0 =	sadd.s32 @!p0 $0x100000, s0  }
0x222: {  	[sflag:s0] =	ssyncadd.tile.s32 @!p0 $0x1;
	_ =	shalt  }
.Lfunc_end2:
_tile_overlayer_lowered:
.L_overlay_start_2:
0x223: {  	(tag) =	ssettag $0x2  }
0x224: {  	s0 =	rddreg [dreg:$0x0];
	s2 =	stileid.u32  }
0x225: {  	s1 =	rddreg [dreg:$0x1];
	p0 =	sne.s32 s2, $0x0  }
0x226: {  	s3 =	rddreg [dreg:$0x2];
	[bflag:$0x3] =	sbarrier.arrive $0xFFFF;
	s2 =	simm.s32 @!p0 $0x1C05  }
0x227: {  	[timem:s3], [sflag:s2] =	dma.local @!p0 [hbm:s0], s1  }
0x228: {  	s0 =	simm.s32 @!p0 $0x5  }
0x229: {  	_ =	swait.ge @!p0 [sflag:s0], s1  }
0x22a: {  	s1 =	ssub.s32 @!p0 $0x0, s1;
	[sflag:s0] =	ssyncset.done @!p0 $0x0  }
0x22b: {  	[sflag:s0] =	ssyncadd.s32 @!p0 s1  }
0x22c: {  	[bflag:$0x3] =	sbarrier.arrive $0xFFFF  }
0x22d: {  	_ =	shalt  }

</sc_bundles>
